<compile_context>
chip_gen: v7x
topology: tpu7x:2x2x1
jax: 0.10.2.dev20260603
libtpu: 0.0.44.dev20260713+nightly
codegen_flags: <defaults>
</compile_context>

<pallas_src>
import functools

import jax
import jax.numpy as jnp
from jax import lax
from jax.experimental import pallas as pl
from jax.experimental.pallas import tpu as pltpu, tpu_sc as plsc

_CHUNK = 8


def _gather_kernel(B, D, V, b_per_w, NC):
    mesh = plsc.VectorSubcoreMesh(core_axis_name="c", subcore_axis_name="s")
    n_groups = b_per_w // _CHUNK

    @functools.partial(
        pl.kernel,
        mesh=mesh,
        out_type=jax.ShapeDtypeStruct((D, B), jnp.float32),
        compiler_params=pltpu.CompilerParams(
            disable_bounds_checks=True, needs_layout_passes=False
        ),
        scratch_types=[
            pltpu.VMEM((b_per_w,), jnp.int32),
            pltpu.VMEM((2, _CHUNK, D, 128), jnp.float32),
            pltpu.VMEM((D, b_per_w), jnp.float32),
            pltpu.SemaphoreType.DMA,
            pltpu.SemaphoreType.DMA,
        ],
    )
    def k(tab_hbm, idx_hbm, out_hbm, idx_v, buf_v, cols_v, sem0, sem1):
        wid = lax.axis_index("s") * NC + lax.axis_index("c")
        base = wid * b_per_w
        pltpu.sync_copy(idx_hbm.at[pl.ds(base, b_per_w)], idx_v)
        sems = (sem0, sem1)
        lanes = lax.iota(jnp.int32, 16)

        def extract(vec, half):
            out = []
            for j in range(8 * half, 8 * half + 8):
                s = lax.reduce_sum(
                    jnp.where(lanes == j, vec, 0), axes=(0,)
                )
                out.append(s)
            return out

        def fire(scals, slot):
            for k_, v in enumerate(scals):
                off = pl.multiple_of((v - (v & 127)) * 1, 128)
                pltpu.async_copy(
                    tab_hbm.at[:, pl.ds(off, 128)],
                    buf_v.at[slot, k_],
                    sems[slot],
                )

        def drain(slot):
            pltpu.make_async_copy(
                tab_hbm.at[:, pl.ds(0, _CHUNK * 128)],
                buf_v.at[slot],
                sems[slot],
            ).wait()

        def select(g, scals, slot):
            for k_, v in enumerate(scals):
                j = g * _CHUNK + k_
                lane = jnp.full((16,), v & 127, jnp.int32)
                col = jnp.full((16,), j, jnp.int32)
                for h in range(D // 16):
                    cs = lanes + (16 * h)
                    x = plsc.load_gather(buf_v.at[slot, k_], [cs, lane])
                    plsc.store_scatter(cols_v, [cs, col], x)

        vec0 = idx_v[pl.ds(0, 16)]
        fire(extract(vec0, 0), 0)

        def body(gg, carry):
            vec = idx_v[pl.ds(gg * 16, 16)]
            lo = extract(vec, 0)
            hi = extract(vec, 1)

            fire(hi, 1)
            drain(0)
            select(2 * gg, lo, 0)

            @pl.when(gg + 1 < n_groups // 2)
            def _():
                nvec = idx_v[pl.ds((gg + 1) * 16, 16)]
                fire(extract(nvec, 0), 0)

            drain(1)
            select(2 * gg + 1, hi, 1)
            return carry

        lax.fori_loop(0, n_groups // 2, body, 0)
        pltpu.sync_copy(cols_v, out_hbm.at[:, pl.ds(base, b_per_w)])

    return k


def kernel(inputs, embeddings):
    idx = inputs.astype(jnp.int32)
    (B,) = idx.shape
    V, D = embeddings.shape
    info = plsc.get_sparse_core_info()
    NC, NS = info.num_cores, info.num_subcores
    NW = NC * NS
    b_per_w = B // NW
    outT = _gather_kernel(B, D, V, b_per_w, NC)(embeddings.T, idx)
    return outT.T

# --- scband reference (transcript-rebuilt; emitter-appended) ---
"""Pipeline reference for scband-arcpuzzle-embedding-56504589746542 (READ-ONLY COPY).

The authoritative reference and input builder live on the scoring server;
editing this copy changes nothing except your own understanding.
"""

import jax, jax.numpy as jnp
import numpy as np

NUM_PUZZLES = 1000000
EMBED_DIM = 32
BATCH = 16384

def setup_inputs(seed: int = 0) -> dict:
    key = jax.random.key(seed)
    k_idx, k_emb = jax.random.split(key)
    inputs = jax.random.randint(k_idx, (BATCH,), 0, NUM_PUZZLES, dtype=jnp.int64 if jax.config.jax_enable_x64 else jnp.int32)
    # keras 'uniform' initializer defaults to U(-0.05, 0.05)
    embeddings = jax.random.uniform(k_emb, (NUM_PUZZLES, EMBED_DIM), dtype=jnp.float32, minval=-0.05, maxval=0.05)
    return {"inputs": inputs, "embeddings": embeddings}

def reference(inputs, embeddings):
    idx = inputs.astype(jnp.int32)
    out = jnp.take(embeddings, idx, axis=0)
    return out

if __name__ == "__main__":
    import jax
    _d = setup_inputs()
    print(jax.jit(kernel)(*tuple(_d.values())))

</pallas_src>

<mosaic_0001>
#map = affine_map<(d0, d1) -> (0, 0)>
#map1 = affine_map<(d0, d1) -> (0)>
module attributes {stable_mosaic.version = 14 : i64} {
  func.func @k(%arg0: i32, %arg1: i32, %arg2: memref<32x1000000xf32, #tpu.memory_space<hbm>>, %arg3: memref<16384xi32, #tpu.memory_space<hbm>>, %arg4: memref<32x16384xf32, #tpu.memory_space<hbm>>, %arg5: memref<512xi32, #tpu.memory_space<vmem>>, %arg6: memref<2x8x32x128xf32, #tpu.memory_space<vmem>>, %arg7: memref<32x512xf32, #tpu.memory_space<vmem>>, %arg8: memref<!tpu.dma_semaphore, #tpu.memory_space<semaphore_mem>>, %arg9: memref<!tpu.dma_semaphore, #tpu.memory_space<semaphore_mem>>) attributes {dimension_semantics = [#tpu.dimension_semantics<core_parallel>, #tpu.dimension_semantics<subcore_parallel>], iteration_bounds = array<i64: 2, 16>, scalar_prefetch = 0 : i64, scratch_operands = 5 : i64, tpu.core_type = #tpu.core_type<sc_vector_subcore>, window_params = [{transform_indices = #map}, {transform_indices = #map1}, {transform_indices = #map}]} {
    %mul3A = arith.constant 2 : i32
    %mul3A_0 = arith.muli %arg1, %mul3A : i32
    %add3A = arith.addi %mul3A_0, %arg0 : i32
    %mul3A_1 = arith.constant 512 : i32
    %mul3A_2 = arith.muli %add3A, %mul3A_1 : i32
    "tpu.region"() ({
      %run_scoped3A = tpu.sem_alloc : memref<!tpu.dma_semaphore, #tpu.memory_space<semaphore_mem>>
      %dma_start3A_240 = tpu.memref_slice %arg3[%mul3A_2] : memref<16384xi32, #tpu.memory_space<hbm>> -> memref<512xi32, #tpu.memory_space<hbm>>
      %dma_start3A_241 = tpu.memref_slice %arg3[%mul3A_2] : memref<16384xi32, #tpu.memory_space<hbm>> -> memref<512xi32, #tpu.memory_space<hbm>>
      tpu.enqueue_dma source(%dma_start3A_241 : memref<512xi32, #tpu.memory_space<hbm>>) target(%arg5 : memref<512xi32, #tpu.memory_space<vmem>>) target_semaphore(%run_scoped3A : memref<!tpu.dma_semaphore, #tpu.memory_space<semaphore_mem>>)
      %dma_wait3A = tpu.memref_slice %arg3[%mul3A_2] : memref<16384xi32, #tpu.memory_space<hbm>> -> memref<512xi32, #tpu.memory_space<hbm>>
      %dma_wait3A_242 = tpu.memref_slice %arg3[%mul3A_2] : memref<16384xi32, #tpu.memory_space<hbm>> -> memref<512xi32, #tpu.memory_space<hbm>>
      tpu.wait_dma2 semaphore(%run_scoped3A : memref<!tpu.dma_semaphore, #tpu.memory_space<semaphore_mem>>) src(%dma_wait3A_242 : memref<512xi32, #tpu.memory_space<hbm>>) dst(%arg5 : memref<512xi32, #tpu.memory_space<vmem>>)
      tpu.yield
    }) : () -> ()
    %iota3A = tpu.iota {dimensions = array<i32: 0>} : vector<16xi32>
    %get3A = arith.constant 0 : index
    %get3A_3 = tpu.vector_load %arg5[%get3A] {strides = array<i32>} : memref<512xi32, #tpu.memory_space<vmem>>, vector<16xi32>,
    %eq3A = arith.constant 0 : i32
    %eq3A_4 = vector.broadcast %eq3A : i32 to vector<16xi32>
    %eq3A_5 = arith.cmpi eq, %iota3A, %eq3A_4 : vector<16xi32>
    %jit3A = arith.constant 0 : i32
    %broadcast_in_dim3A = vector.broadcast %jit3A : i32 to vector<16xi32>
    %select_n3A = arith.select %eq3A_5, %get3A_3, %broadcast_in_dim3A : vector<16xi1>, vector<16xi32>
    %reduce_sum3A = arith.constant true
    %reduce_sum3A_6 = vector.broadcast %reduce_sum3A : i1 to vector<16xi1>
    %reduce_sum3A_7 = tpu.scan <sum>, %select_n3A masked %reduce_sum3A_6 : vector<16xi32>, vector<16xi1> -> vector<16xi32>
    %reduce_sum3A_8 = vector.extract %reduce_sum3A_7[15] : i32 from vector<16xi32>
    %eq3A_9 = arith.constant 1 : i32
    %eq3A_10 = vector.broadcast %eq3A_9 : i32 to vector<16xi32>
    %eq3A_11 = arith.cmpi eq, %iota3A, %eq3A_10 : vector<16xi32>
    %jit3A_12 = arith.constant 0 : i32
    %broadcast_in_dim3A_13 = vector.broadcast %jit3A_12 : i32 to vector<16xi32>
    %select_n3A_14 = arith.select %eq3A_11, %get3A_3, %broadcast_in_dim3A_13 : vector<16xi1>, vector<16xi32>
    %reduce_sum3A_15 = arith.constant true
    %reduce_sum3A_16 = vector.broadcast %reduce_sum3A_15 : i1 to vector<16xi1>
    %reduce_sum3A_17 = tpu.scan <sum>, %select_n3A_14 masked %reduce_sum3A_16 : vector<16xi32>, vector<16xi1> -> vector<16xi32>
    %reduce_sum3A_18 = vector.extract %reduce_sum3A_17[15] : i32 from vector<16xi32>
    %eq3A_19 = arith.constant 2 : i32
    %eq3A_20 = vector.broadcast %eq3A_19 : i32 to vector<16xi32>
    %eq3A_21 = arith.cmpi eq, %iota3A, %eq3A_20 : vector<16xi32>
    %jit3A_22 = arith.constant 0 : i32
    %broadcast_in_dim3A_23 = vector.broadcast %jit3A_22 : i32 to vector<16xi32>
    %select_n3A_24 = arith.select %eq3A_21, %get3A_3, %broadcast_in_dim3A_23 : vector<16xi1>, vector<16xi32>
    %reduce_sum3A_25 = arith.constant true
    %reduce_sum3A_26 = vector.broadcast %reduce_sum3A_25 : i1 to vector<16xi1>
    %reduce_sum3A_27 = tpu.scan <sum>, %select_n3A_24 masked %reduce_sum3A_26 : vector<16xi32>, vector<16xi1> -> vector<16xi32>
    %reduce_sum3A_28 = vector.extract %reduce_sum3A_27[15] : i32 from vector<16xi32>
    %eq3A_29 = arith.constant 3 : i32
    %eq3A_30 = vector.broadcast %eq3A_29 : i32 to vector<16xi32>
    %eq3A_31 = arith.cmpi eq, %iota3A, %eq3A_30 : vector<16xi32>
    %jit3A_32 = arith.constant 0 : i32
    %broadcast_in_dim3A_33 = vector.broadcast %jit3A_32 : i32 to vector<16xi32>
    %select_n3A_34 = arith.select %eq3A_31, %get3A_3, %broadcast_in_dim3A_33 : vector<16xi1>, vector<16xi32>
    %reduce_sum3A_35 = arith.constant true
    %reduce_sum3A_36 = vector.broadcast %reduce_sum3A_35 : i1 to vector<16xi1>
    %reduce_sum3A_37 = tpu.scan <sum>, %select_n3A_34 masked %reduce_sum3A_36 : vector<16xi32>, vector<16xi1> -> vector<16xi32>
    %reduce_sum3A_38 = vector.extract %reduce_sum3A_37[15] : i32 from vector<16xi32>
    %eq3A_39 = arith.constant 4 : i32
    %eq3A_40 = vector.broadcast %eq3A_39 : i32 to vector<16xi32>
    %eq3A_41 = arith.cmpi eq, %iota3A, %eq3A_40 : vector<16xi32>
    %jit3A_42 = arith.constant 0 : i32
    %broadcast_in_dim3A_43 = vector.broadcast %jit3A_42 : i32 to vector<16xi32>
    %select_n3A_44 = arith.select %eq3A_41, %get3A_3, %broadcast_in_dim3A_43 : vector<16xi1>, vector<16xi32>
    %reduce_sum3A_45 = arith.constant true
    %reduce_sum3A_46 = vector.broadcast %reduce_sum3A_45 : i1 to vector<16xi1>
    %reduce_sum3A_47 = tpu.scan <sum>, %select_n3A_44 masked %reduce_sum3A_46 : vector<16xi32>, vector<16xi1> -> vector<16xi32>
    %reduce_sum3A_48 = vector.extract %reduce_sum3A_47[15] : i32 from vector<16xi32>
    %eq3A_49 = arith.constant 5 : i32
    %eq3A_50 = vector.broadcast %eq3A_49 : i32 to vector<16xi32>
    %eq3A_51 = arith.cmpi eq, %iota3A, %eq3A_50 : vector<16xi32>
    %jit3A_52 = arith.constant 0 : i32
    %broadcast_in_dim3A_53 = vector.broadcast %jit3A_52 : i32 to vector<16xi32>
    %select_n3A_54 = arith.select %eq3A_51, %get3A_3, %broadcast_in_dim3A_53 : vector<16xi1>, vector<16xi32>
    %reduce_sum3A_55 = arith.constant true
    %reduce_sum3A_56 = vector.broadcast %reduce_sum3A_55 : i1 to vector<16xi1>
    %reduce_sum3A_57 = tpu.scan <sum>, %select_n3A_54 masked %reduce_sum3A_56 : vector<16xi32>, vector<16xi1> -> vector<16xi32>
    %reduce_sum3A_58 = vector.extract %reduce_sum3A_57[15] : i32 from vector<16xi32>
    %eq3A_59 = arith.constant 6 : i32
    %eq3A_60 = vector.broadcast %eq3A_59 : i32 to vector<16xi32>
    %eq3A_61 = arith.cmpi eq, %iota3A, %eq3A_60 : vector<16xi32>
    %jit3A_62 = arith.constant 0 : i32
    %broadcast_in_dim3A_63 = vector.broadcast %jit3A_62 : i32 to vector<16xi32>
    %select_n3A_64 = arith.select %eq3A_61, %get3A_3, %broadcast_in_dim3A_63 : vector<16xi1>, vector<16xi32>
    %reduce_sum3A_65 = arith.constant true
    %reduce_sum3A_66 = vector.broadcast %reduce_sum3A_65 : i1 to vector<16xi1>
    %reduce_sum3A_67 = tpu.scan <sum>, %select_n3A_64 masked %reduce_sum3A_66 : vector<16xi32>, vector<16xi1> -> vector<16xi32>
    %reduce_sum3A_68 = vector.extract %reduce_sum3A_67[15] : i32 from vector<16xi32>
    %eq3A_69 = arith.constant 7 : i32
    %eq3A_70 = vector.broadcast %eq3A_69 : i32 to vector<16xi32>
    %eq3A_71 = arith.cmpi eq, %iota3A, %eq3A_70 : vector<16xi32>
    %jit3A_72 = arith.constant 0 : i32
    %broadcast_in_dim3A_73 = vector.broadcast %jit3A_72 : i32 to vector<16xi32>
    %select_n3A_74 = arith.select %eq3A_71, %get3A_3, %broadcast_in_dim3A_73 : vector<16xi1>, vector<16xi32>
    %reduce_sum3A_75 = arith.constant true
    %reduce_sum3A_76 = vector.broadcast %reduce_sum3A_75 : i1 to vector<16xi1>
    %reduce_sum3A_77 = tpu.scan <sum>, %select_n3A_74 masked %reduce_sum3A_76 : vector<16xi32>, vector<16xi1> -> vector<16xi32>
    %reduce_sum3A_78 = vector.extract %reduce_sum3A_77[15] : i32 from vector<16xi32>
    %and3A = arith.constant 127 : i32
    %and3A_79 = arith.andi %reduce_sum3A_8, %and3A : i32
    %sub3A = arith.subi %reduce_sum3A_8, %and3A_79 : i32
    %mul3A_80 = arith.constant 1 : i32
    %mul3A_81 = arith.muli %sub3A, %mul3A_80 : i32
    %multiple_of3A = tpu.assume_multiple %mul3A_81, 128 : i32
    %dma_start3A = arith.constant 0 : i32
    %dma_start3A_82 = arith.constant 0 : i32
    %dma_start3A_83 = arith.constant 0 : i32
    %dma_start3A_84 = arith.constant 0 : i32
    %dma_start3A_85 = tpu.memref_slice %arg6[%dma_start3A, %dma_start3A_82, %dma_start3A_83, %dma_start3A_84] : memref<2x8x32x128xf32, #tpu.memory_space<vmem>> -> memref<1x1x32x128xf32, #tpu.memory_space<vmem>>
    %dma_start3A_86 = tpu.memref_squeeze %dma_start3A_85 : memref<1x1x32x128xf32, #tpu.memory_space<vmem>> -> memref<32x128xf32, #tpu.memory_space<vmem>>
    %dma_start3A_87 = arith.constant 0 : i32
    %dma_start3A_88 = tpu.memref_slice %arg2[%dma_start3A_87, %multiple_of3A] : memref<32x1000000xf32, #tpu.memory_space<hbm>> -> memref<32x128xf32, #tpu.memory_space<hbm>>
    %dma_start3A_89 = arith.constant 0 : i32
    %dma_start3A_90 = arith.constant 0 : i32
    %dma_start3A_91 = tpu.memref_slice %arg6[%dma_start3A, %dma_start3A_82, %dma_start3A_89, %dma_start3A_90] : memref<2x8x32x128xf32, #tpu.memory_space<vmem>> -> memref<1x1x32x128xf32, #tpu.memory_space<vmem>>
    %dma_start3A_92 = tpu.memref_squeeze %dma_start3A_91 : memref<1x1x32x128xf32, #tpu.memory_space<vmem>> -> memref<32x128xf32, #tpu.memory_space<vmem>>
    %dma_start3A_93 = arith.constant 0 : i32
    %dma_start3A_94 = tpu.memref_slice %arg2[%dma_start3A_93, %multiple_of3A] : memref<32x1000000xf32, #tpu.memory_space<hbm>> -> memref<32x128xf32, #tpu.memory_space<hbm>>
    tpu.enqueue_dma source(%dma_start3A_94 : memref<32x128xf32, #tpu.memory_space<hbm>>) target(%dma_start3A_92 : memref<32x128xf32, #tpu.memory_space<vmem>>) target_semaphore(%arg8 : memref<!tpu.dma_semaphore, #tpu.memory_space<semaphore_mem>>)
    %and3A_95 = arith.constant 127 : i32
    %and3A_96 = arith.andi %reduce_sum3A_18, %and3A_95 : i32
    %sub3A_97 = arith.subi %reduce_sum3A_18, %and3A_96 : i32
    %mul3A_98 = arith.constant 1 : i32
    %mul3A_99 = arith.muli %sub3A_97, %mul3A_98 : i32
    %multiple_of3A_100 = tpu.assume_multiple %mul3A_99, 128 : i32
    %dma_start3A_101 = arith.constant 0 : i32
    %dma_start3A_102 = arith.constant 1 : i32
    %dma_start3A_103 = arith.constant 0 : i32
    %dma_start3A_104 = arith.constant 0 : i32
    %dma_start3A_105 = tpu.memref_slice %arg6[%dma_start3A_101, %dma_start3A_102, %dma_start3A_103, %dma_start3A_104] : memref<2x8x32x128xf32, #tpu.memory_space<vmem>> -> memref<1x1x32x128xf32, #tpu.memory_space<vmem>>
    %dma_start3A_106 = tpu.memref_squeeze %dma_start3A_105 : memref<1x1x32x128xf32, #tpu.memory_space<vmem>> -> memref<32x128xf32, #tpu.memory_space<vmem>>
    %dma_start3A_107 = arith.constant 0 : i32
    %dma_start3A_108 = tpu.memref_slice %arg2[%dma_start3A_107, %multiple_of3A_100] : memref<32x1000000xf32, #tpu.memory_space<hbm>> -> memref<32x128xf32, #tpu.memory_space<hbm>>
    %dma_start3A_109 = arith.constant 0 : i32
    %dma_start3A_110 = arith.constant 0 : i32
    %dma_start3A_111 = tpu.memref_slice %arg6[%dma_start3A_101, %dma_start3A_102, %dma_start3A_109, %dma_start3A_110] : memref<2x8x32x128xf32, #tpu.memory_space<vmem>> -> memref<1x1x32x128xf32, #tpu.memory_space<vmem>>
    %dma_start3A_112 = tpu.memref_squeeze %dma_start3A_111 : memref<1x1x32x128xf32, #tpu.memory_space<vmem>> -> memref<32x128xf32, #tpu.memory_space<vmem>>
    %dma_start3A_113 = arith.constant 0 : i32
    %dma_start3A_114 = tpu.memref_slice %arg2[%dma_start3A_113, %multiple_of3A_100] : memref<32x1000000xf32, #tpu.memory_space<hbm>> -> memref<32x128xf32, #tpu.memory_space<hbm>>
    tpu.enqueue_dma source(%dma_start3A_114 : memref<32x128xf32, #tpu.memory_space<hbm>>) target(%dma_start3A_112 : memref<32x128xf32, #tpu.memory_space<vmem>>) target_semaphore(%arg8 : memref<!tpu.dma_semaphore, #tpu.memory_space<semaphore_mem>>)
    %and3A_115 = arith.constant 127 : i32
    %and3A_116 = arith.andi %reduce_sum3A_28, %and3A_115 : i32
    %sub3A_117 = arith.subi %reduce_sum3A_28, %and3A_116 : i32
    %mul3A_118 = arith.constant 1 : i32
    %mul3A_119 = arith.muli %sub3A_117, %mul3A_118 : i32
    %multiple_of3A_120 = tpu.assume_multiple %mul3A_119, 128 : i32
    %dma_start3A_121 = arith.constant 0 : i32
    %dma_start3A_122 = arith.constant 2 : i32
    %dma_start3A_123 = arith.constant 0 : i32
    %dma_start3A_124 = arith.constant 0 : i32
    %dma_start3A_125 = tpu.memref_slice %arg6[%dma_start3A_121, %dma_start3A_122, %dma_start3A_123, %dma_start3A_124] : memref<2x8x32x128xf32, #tpu.memory_space<vmem>> -> memref<1x1x32x128xf32, #tpu.memory_space<vmem>>
    %dma_start3A_126 = tpu.memref_squeeze %dma_start3A_125 : memref<1x1x32x128xf32, #tpu.memory_space<vmem>> -> memref<32x128xf32, #tpu.memory_space<vmem>>
    %dma_start3A_127 = arith.constant 0 : i32
    %dma_start3A_128 = tpu.memref_slice %arg2[%dma_start3A_127, %multiple_of3A_120] : memref<32x1000000xf32, #tpu.memory_space<hbm>> -> memref<32x128xf32, #tpu.memory_space<hbm>>
    %dma_start3A_129 = arith.constant 0 : i32
    %dma_start3A_130 = arith.constant 0 : i32
    %dma_start3A_131 = tpu.memref_slice %arg6[%dma_start3A_121, %dma_start3A_122, %dma_start3A_129, %dma_start3A_130] : memref<2x8x32x128xf32, #tpu.memory_space<vmem>> -> memref<1x1x32x128xf32, #tpu.memory_space<vmem>>
    %dma_start3A_132 = tpu.memref_squeeze %dma_start3A_131 : memref<1x1x32x128xf32, #tpu.memory_space<vmem>> -> memref<32x128xf32, #tpu.memory_space<vmem>>
    %dma_start3A_133 = arith.constant 0 : i32
    %dma_start3A_134 = tpu.memref_slice %arg2[%dma_start3A_133, %multiple_of3A_120] : memref<32x1000000xf32, #tpu.memory_space<hbm>> -> memref<32x128xf32, #tpu.memory_space<hbm>>
    tpu.enqueue_dma source(%dma_start3A_134 : memref<32x128xf32, #tpu.memory_space<hbm>>) target(%dma_start3A_132 : memref<32x128xf32, #tpu.memory_space<vmem>>) target_semaphore(%arg8 : memref<!tpu.dma_semaphore, #tpu.memory_space<semaphore_mem>>)
    %and3A_135 = arith.constant 127 : i32
    %and3A_136 = arith.andi %reduce_sum3A_38, %and3A_135 : i32
    %sub3A_137 = arith.subi %reduce_sum3A_38, %and3A_136 : i32
    %mul3A_138 = arith.constant 1 : i32
    %mul3A_139 = arith.muli %sub3A_137, %mul3A_138 : i32
    %multiple_of3A_140 = tpu.assume_multiple %mul3A_139, 128 : i32
    %dma_start3A_141 = arith.constant 0 : i32
    %dma_start3A_142 = arith.constant 3 : i32
    %dma_start3A_143 = arith.constant 0 : i32
    %dma_start3A_144 = arith.constant 0 : i32
    %dma_start3A_145 = tpu.memref_slice %arg6[%dma_start3A_141, %dma_start3A_142, %dma_start3A_143, %dma_start3A_144] : memref<2x8x32x128xf32, #tpu.memory_space<vmem>> -> memref<1x1x32x128xf32, #tpu.memory_space<vmem>>
    %dma_start3A_146 = tpu.memref_squeeze %dma_start3A_145 : memref<1x1x32x128xf32, #tpu.memory_space<vmem>> -> memref<32x128xf32, #tpu.memory_space<vmem>>
    %dma_start3A_147 = arith.constant 0 : i32
    %dma_start3A_148 = tpu.memref_slice %arg2[%dma_start3A_147, %multiple_of3A_140] : memref<32x1000000xf32, #tpu.memory_space<hbm>> -> memref<32x128xf32, #tpu.memory_space<hbm>>
    %dma_start3A_149 = arith.constant 0 : i32
    %dma_start3A_150 = arith.constant 0 : i32
    %dma_start3A_151 = tpu.memref_slice %arg6[%dma_start3A_141, %dma_start3A_142, %dma_start3A_149, %dma_start3A_150] : memref<2x8x32x128xf32, #tpu.memory_space<vmem>> -> memref<1x1x32x128xf32, #tpu.memory_space<vmem>>
    %dma_start3A_152 = tpu.memref_squeeze %dma_start3A_151 : memref<1x1x32x128xf32, #tpu.memory_space<vmem>> -> memref<32x128xf32, #tpu.memory_space<vmem>>
    %dma_start3A_153 = arith.constant 0 : i32
    %dma_start3A_154 = tpu.memref_slice %arg2[%dma_start3A_153, %multiple_of3A_140] : memref<32x1000000xf32, #tpu.memory_space<hbm>> -> memref<32x128xf32, #tpu.memory_space<hbm>>
    tpu.enqueue_dma source(%dma_start3A_154 : memref<32x128xf32, #tpu.memory_space<hbm>>) target(%dma_start3A_152 : memref<32x128xf32, #tpu.memory_space<vmem>>) target_semaphore(%arg8 : memref<!tpu.dma_semaphore, #tpu.memory_space<semaphore_mem>>)
    %and3A_155 = arith.constant 127 : i32
    %and3A_156 = arith.andi %reduce_sum3A_48, %and3A_155 : i32
    %sub3A_157 = arith.subi %reduce_sum3A_48, %and3A_156 : i32
    %mul3A_158 = arith.constant 1 : i32
    %mul3A_159 = arith.muli %sub3A_157, %mul3A_158 : i32
    %multiple_of3A_160 = tpu.assume_multiple %mul3A_159, 128 : i32
    %dma_start3A_161 = arith.constant 0 : i32
    %dma_start3A_162 = arith.constant 4 : i32
    %dma_start3A_163 = arith.constant 0 : i32
    %dma_start3A_164 = arith.constant 0 : i32
    %dma_start3A_165 = tpu.memref_slice %arg6[%dma_start3A_161, %dma_start3A_162, %dma_start3A_163, %dma_start3A_164] : memref<2x8x32x128xf32, #tpu.memory_space<vmem>> -> memref<1x1x32x128xf32, #tpu.memory_space<vmem>>
    %dma_start3A_166 = tpu.memref_squeeze %dma_start3A_165 : memref<1x1x32x128xf32, #tpu.memory_space<vmem>> -> memref<32x128xf32, #tpu.memory_space<vmem>>
    %dma_start3A_167 = arith.constant 0 : i32
    %dma_start3A_168 = tpu.memref_slice %arg2[%dma_start3A_167, %multiple_of3A_160] : memref<32x1000000xf32, #tpu.memory_space<hbm>> -> memref<32x128xf32, #tpu.memory_space<hbm>>
    %dma_start3A_169 = arith.constant 0 : i32
    %dma_start3A_170 = arith.constant 0 : i32
    %dma_start3A_171 = tpu.memref_slice %arg6[%dma_start3A_161, %dma_start3A_162, %dma_start3A_169, %dma_start3A_170] : memref<2x8x32x128xf32, #tpu.memory_space<vmem>> -> memref<1x1x32x128xf32, #tpu.memory_space<vmem>>
    %dma_start3A_172 = tpu.memref_squeeze %dma_start3A_171 : memref<1x1x32x128xf32, #tpu.memory_space<vmem>> -> memref<32x128xf32, #tpu.memory_space<vmem>>
    %dma_start3A_173 = arith.constant 0 : i32
    %dma_start3A_174 = tpu.memref_slice %arg2[%dma_start3A_173, %multiple_of3A_160] : memref<32x1000000xf32, #tpu.memory_space<hbm>> -> memref<32x128xf32, #tpu.memory_space<hbm>>
    tpu.enqueue_dma source(%dma_start3A_174 : memref<32x128xf32, #tpu.memory_space<hbm>>) target(%dma_start3A_172 : memref<32x128xf32, #tpu.memory_space<vmem>>) target_semaphore(%arg8 : memref<!tpu.dma_semaphore, #tpu.memory_space<semaphore_mem>>)
    %and3A_175 = arith.constant 127 : i32
    %and3A_176 = arith.andi %reduce_sum3A_58, %and3A_175 : i32
    %sub3A_177 = arith.subi %reduce_sum3A_58, %and3A_176 : i32
    %mul3A_178 = arith.constant 1 : i32
    %mul3A_179 = arith.muli %sub3A_177, %mul3A_178 : i32
    %multiple_of3A_180 = tpu.assume_multiple %mul3A_179, 128 : i32
    %dma_start3A_181 = arith.constant 0 : i32
    %dma_start3A_182 = arith.constant 5 : i32
    %dma_start3A_183 = arith.constant 0 : i32
    %dma_start3A_184 = arith.constant 0 : i32
    %dma_start3A_185 = tpu.memref_slice %arg6[%dma_start3A_181, %dma_start3A_182, %dma_start3A_183, %dma_start3A_184] : memref<2x8x32x128xf32, #tpu.memory_space<vmem>> -> memref<1x1x32x128xf32, #tpu.memory_space<vmem>>
    %dma_start3A_186 = tpu.memref_squeeze %dma_start3A_185 : memref<1x1x32x128xf32, #tpu.memory_space<vmem>> -> memref<32x128xf32, #tpu.memory_space<vmem>>
    %dma_start3A_187 = arith.constant 0 : i32
    %dma_start3A_188 = tpu.memref_slice %arg2[%dma_start3A_187, %multiple_of3A_180] : memref<32x1000000xf32, #tpu.memory_space<hbm>> -> memref<32x128xf32, #tpu.memory_space<hbm>>
    %dma_start3A_189 = arith.constant 0 : i32
    %dma_start3A_190 = arith.constant 0 : i32
    %dma_start3A_191 = tpu.memref_slice %arg6[%dma_start3A_181, %dma_start3A_182, %dma_start3A_189, %dma_start3A_190] : memref<2x8x32x128xf32, #tpu.memory_space<vmem>> -> memref<1x1x32x128xf32, #tpu.memory_space<vmem>>
    %dma_start3A_192 = tpu.memref_squeeze %dma_start3A_191 : memref<1x1x32x128xf32, #tpu.memory_space<vmem>> -> memref<32x128xf32, #tpu.memory_space<vmem>>
    %dma_start3A_193 = arith.constant 0 : i32
    %dma_start3A_194 = tpu.memref_slice %arg2[%dma_start3A_193, %multiple_of3A_180] : memref<32x1000000xf32, #tpu.memory_space<hbm>> -> memref<32x128xf32, #tpu.memory_space<hbm>>
    tpu.enqueue_dma source(%dma_start3A_194 : memref<32x128xf32, #tpu.memory_space<hbm>>) target(%dma_start3A_192 : memref<32x128xf32, #tpu.memory_space<vmem>>) target_semaphore(%arg8 : memref<!tpu.dma_semaphore, #tpu.memory_space<semaphore_mem>>)
    %and3A_195 = arith.constant 127 : i32
    %and3A_196 = arith.andi %reduce_sum3A_68, %and3A_195 : i32
    %sub3A_197 = arith.subi %reduce_sum3A_68, %and3A_196 : i32
    %mul3A_198 = arith.constant 1 : i32
    %mul3A_199 = arith.muli %sub3A_197, %mul3A_198 : i32
    %multiple_of3A_200 = tpu.assume_multiple %mul3A_199, 128 : i32
    %dma_start3A_201 = arith.constant 0 : i32
    %dma_start3A_202 = arith.constant 6 : i32
    %dma_start3A_203 = arith.constant 0 : i32
    %dma_start3A_204 = arith.constant 0 : i32
    %dma_start3A_205 = tpu.memref_slice %arg6[%dma_start3A_201, %dma_start3A_202, %dma_start3A_203, %dma_start3A_204] : memref<2x8x32x128xf32, #tpu.memory_space<vmem>> -> memref<1x1x32x128xf32, #tpu.memory_space<vmem>>
    %dma_start3A_206 = tpu.memref_squeeze %dma_start3A_205 : memref<1x1x32x128xf32, #tpu.memory_space<vmem>> -> memref<32x128xf32, #tpu.memory_space<vmem>>
    %dma_start3A_207 = arith.constant 0 : i32
    %dma_start3A_208 = tpu.memref_slice %arg2[%dma_start3A_207, %multiple_of3A_200] : memref<32x1000000xf32, #tpu.memory_space<hbm>> -> memref<32x128xf32, #tpu.memory_space<hbm>>
    %dma_start3A_209 = arith.constant 0 : i32
    %dma_start3A_210 = arith.constant 0 : i32
    %dma_start3A_211 = tpu.memref_slice %arg6[%dma_start3A_201, %dma_start3A_202, %dma_start3A_209, %dma_start3A_210] : memref<2x8x32x128xf32, #tpu.memory_space<vmem>> -> memref<1x1x32x128xf32, #tpu.memory_space<vmem>>
    %dma_start3A_212 = tpu.memref_squeeze %dma_start3A_211 : memref<1x1x32x128xf32, #tpu.memory_space<vmem>> -> memref<32x128xf32, #tpu.memory_space<vmem>>
    %dma_start3A_213 = arith.constant 0 : i32
    %dma_start3A_214 = tpu.memref_slice %arg2[%dma_start3A_213, %multiple_of3A_200] : memref<32x1000000xf32, #tpu.memory_space<hbm>> -> memref<32x128xf32, #tpu.memory_space<hbm>>
    tpu.enqueue_dma source(%dma_start3A_214 : memref<32x128xf32, #tpu.memory_space<hbm>>) target(%dma_start3A_212 : memref<32x128xf32, #tpu.memory_space<vmem>>) target_semaphore(%arg8 : memref<!tpu.dma_semaphore, #tpu.memory_space<semaphore_mem>>)
    %and3A_215 = arith.constant 127 : i32
    %and3A_216 = arith.andi %reduce_sum3A_78, %and3A_215 : i32
    %sub3A_217 = arith.subi %reduce_sum3A_78, %and3A_216 : i32
    %mul3A_218 = arith.constant 1 : i32
    %mul3A_219 = arith.muli %sub3A_217, %mul3A_218 : i32
    %multiple_of3A_220 = tpu.assume_multiple %mul3A_219, 128 : i32
    %dma_start3A_221 = arith.constant 0 : i32
    %dma_start3A_222 = arith.constant 7 : i32
    %dma_start3A_223 = arith.constant 0 : i32
    %dma_start3A_224 = arith.constant 0 : i32
    %dma_start3A_225 = tpu.memref_slice %arg6[%dma_start3A_221, %dma_start3A_222, %dma_start3A_223, %dma_start3A_224] : memref<2x8x32x128xf32, #tpu.memory_space<vmem>> -> memref<1x1x32x128xf32, #tpu.memory_space<vmem>>
    %dma_start3A_226 = tpu.memref_squeeze %dma_start3A_225 : memref<1x1x32x128xf32, #tpu.memory_space<vmem>> -> memref<32x128xf32, #tpu.memory_space<vmem>>
    %dma_start3A_227 = arith.constant 0 : i32
    %dma_start3A_228 = tpu.memref_slice %arg2[%dma_start3A_227, %multiple_of3A_220] : memref<32x1000000xf32, #tpu.memory_space<hbm>> -> memref<32x128xf32, #tpu.memory_space<hbm>>
    %dma_start3A_229 = arith.constant 0 : i32
    %dma_start3A_230 = arith.constant 0 : i32
    %dma_start3A_231 = tpu.memref_slice %arg6[%dma_start3A_221, %dma_start3A_222, %dma_start3A_229, %dma_start3A_230] : memref<2x8x32x128xf32, #tpu.memory_space<vmem>> -> memref<1x1x32x128xf32, #tpu.memory_space<vmem>>
    %dma_start3A_232 = tpu.memref_squeeze %dma_start3A_231 : memref<1x1x32x128xf32, #tpu.memory_space<vmem>> -> memref<32x128xf32, #tpu.memory_space<vmem>>
    %dma_start3A_233 = arith.constant 0 : i32
    %dma_start3A_234 = tpu.memref_slice %arg2[%dma_start3A_233, %multiple_of3A_220] : memref<32x1000000xf32, #tpu.memory_space<hbm>> -> memref<32x128xf32, #tpu.memory_space<hbm>>
    tpu.enqueue_dma source(%dma_start3A_234 : memref<32x128xf32, #tpu.memory_space<hbm>>) target(%dma_start3A_232 : memref<32x128xf32, #tpu.memory_space<vmem>>) target_semaphore(%arg8 : memref<!tpu.dma_semaphore, #tpu.memory_space<semaphore_mem>>)
    %scan3A = arith.constant 0 : i32
    %scan3A_235 = arith.constant 0 : i32
    %scan3A_236 = arith.constant 32 : i32
    %scan3A_237 = arith.addi %scan3A_235, %scan3A_236 : i32
    %scan3A_238 = arith.constant 1 : i32
    scf.for %scan3A_240 = %scan3A_235 to %scan3A_237 step %scan3A_238  : i32 {
      %mul3A_241 = arith.constant 16 : i32
      %mul3A_242 = arith.muli %scan3A_240, %mul3A_241 : i32
      %get3A_243 = arith.index_cast %mul3A_242 : i32 to index
      %get3A_244 = tpu.vector_load %arg5[%get3A_243] {strides = array<i32>} : memref<512xi32, #tpu.memory_space<vmem>>, vector<16xi32>,
      %eq3A_245 = arith.constant 0 : i32
      %eq3A_246 = vector.broadcast %eq3A_245 : i32 to vector<16xi32>
      %eq3A_247 = arith.cmpi eq, %iota3A, %eq3A_246 : vector<16xi32>
      %jit3A_248 = arith.constant 0 : i32
      %broadcast_in_dim3A_249 = vector.broadcast %jit3A_248 : i32 to vector<16xi32>
      %select_n3A_250 = arith.select %eq3A_247, %get3A_244, %broadcast_in_dim3A_249 : vector<16xi1>, vector<16xi32>
      %reduce_sum3A_251 = arith.constant true
      %reduce_sum3A_252 = vector.broadcast %reduce_sum3A_251 : i1 to vector<16xi1>
      %reduce_sum3A_253 = tpu.scan <sum>, %select_n3A_250 masked %reduce_sum3A_252 : vector<16xi32>, vector<16xi1> -> vector<16xi32>
      %reduce_sum3A_254 = vector.extract %reduce_sum3A_253[15] : i32 from vector<16xi32>
      %eq3A_255 = arith.constant 1 : i32
      %eq3A_256 = vector.broadcast %eq3A_255 : i32 to vector<16xi32>
      %eq3A_257 = arith.cmpi eq, %iota3A, %eq3A_256 : vector<16xi32>
      %jit3A_258 = arith.constant 0 : i32
      %broadcast_in_dim3A_259 = vector.broadcast %jit3A_258 : i32 to vector<16xi32>
      %select_n3A_260 = arith.select %eq3A_257, %get3A_244, %broadcast_in_dim3A_259 : vector<16xi1>, vector<16xi32>
      %reduce_sum3A_261 = arith.constant true
      %reduce_sum3A_262 = vector.broadcast %reduce_sum3A_261 : i1 to vector<16xi1>
      %reduce_sum3A_263 = tpu.scan <sum>, %select_n3A_260 masked %reduce_sum3A_262 : vector<16xi32>, vector<16xi1> -> vector<16xi32>
      %reduce_sum3A_264 = vector.extract %reduce_sum3A_263[15] : i32 from vector<16xi32>
      %eq3A_265 = arith.constant 2 : i32
      %eq3A_266 = vector.broadcast %eq3A_265 : i32 to vector<16xi32>
      %eq3A_267 = arith.cmpi eq, %iota3A, %eq3A_266 : vector<16xi32>
      %jit3A_268 = arith.constant 0 : i32
      %broadcast_in_dim3A_269 = vector.broadcast %jit3A_268 : i32 to vector<16xi32>
      %select_n3A_270 = arith.select %eq3A_267, %get3A_244, %broadcast_in_dim3A_269 : vector<16xi1>, vector<16xi32>
      %reduce_sum3A_271 = arith.constant true
      %reduce_sum3A_272 = vector.broadcast %reduce_sum3A_271 : i1 to vector<16xi1>
      %reduce_sum3A_273 = tpu.scan <sum>, %select_n3A_270 masked %reduce_sum3A_272 : vector<16xi32>, vector<16xi1> -> vector<16xi32>
      %reduce_sum3A_274 = vector.extract %reduce_sum3A_273[15] : i32 from vector<16xi32>
      %eq3A_275 = arith.constant 3 : i32
      %eq3A_276 = vector.broadcast %eq3A_275 : i32 to vector<16xi32>
      %eq3A_277 = arith.cmpi eq, %iota3A, %eq3A_276 : vector<16xi32>
      %jit3A_278 = arith.constant 0 : i32
      %broadcast_in_dim3A_279 = vector.broadcast %jit3A_278 : i32 to vector<16xi32>
      %select_n3A_280 = arith.select %eq3A_277, %get3A_244, %broadcast_in_dim3A_279 : vector<16xi1>, vector<16xi32>
      %reduce_sum3A_281 = arith.constant true
      %reduce_sum3A_282 = vector.broadcast %reduce_sum3A_281 : i1 to vector<16xi1>
      %reduce_sum3A_283 = tpu.scan <sum>, %select_n3A_280 masked %reduce_sum3A_282 : vector<16xi32>, vector<16xi1> -> vector<16xi32>
      %reduce_sum3A_284 = vector.extract %reduce_sum3A_283[15] : i32 from vector<16xi32>
      %eq3A_285 = arith.constant 4 : i32
      %eq3A_286 = vector.broadcast %eq3A_285 : i32 to vector<16xi32>
      %eq3A_287 = arith.cmpi eq, %iota3A, %eq3A_286 : vector<16xi32>
      %jit3A_288 = arith.constant 0 : i32
      %broadcast_in_dim3A_289 = vector.broadcast %jit3A_288 : i32 to vector<16xi32>
      %select_n3A_290 = arith.select %eq3A_287, %get3A_244, %broadcast_in_dim3A_289 : vector<16xi1>, vector<16xi32>
      %reduce_sum3A_291 = arith.constant true
      %reduce_sum3A_292 = vector.broadcast %reduce_sum3A_291 : i1 to vector<16xi1>
      %reduce_sum3A_293 = tpu.scan <sum>, %select_n3A_290 masked %reduce_sum3A_292 : vector<16xi32>, vector<16xi1> -> vector<16xi32>
      %reduce_sum3A_294 = vector.extract %reduce_sum3A_293[15] : i32 from vector<16xi32>
      %eq3A_295 = arith.constant 5 : i32
      %eq3A_296 = vector.broadcast %eq3A_295 : i32 to vector<16xi32>
      %eq3A_297 = arith.cmpi eq, %iota3A, %eq3A_296 : vector<16xi32>
      %jit3A_298 = arith.constant 0 : i32
      %broadcast_in_dim3A_299 = vector.broadcast %jit3A_298 : i32 to vector<16xi32>
      %select_n3A_300 = arith.select %eq3A_297, %get3A_244, %broadcast_in_dim3A_299 : vector<16xi1>, vector<16xi32>
      %reduce_sum3A_301 = arith.constant true
      %reduce_sum3A_302 = vector.broadcast %reduce_sum3A_301 : i1 to vector<16xi1>
      %reduce_sum3A_303 = tpu.scan <sum>, %select_n3A_300 masked %reduce_sum3A_302 : vector<16xi32>, vector<16xi1> -> vector<16xi32>
      %reduce_sum3A_304 = vector.extract %reduce_sum3A_303[15] : i32 from vector<16xi32>
      %eq3A_305 = arith.constant 6 : i32
      %eq3A_306 = vector.broadcast %eq3A_305 : i32 to vector<16xi32>
      %eq3A_307 = arith.cmpi eq, %iota3A, %eq3A_306 : vector<16xi32>
      %jit3A_308 = arith.constant 0 : i32
      %broadcast_in_dim3A_309 = vector.broadcast %jit3A_308 : i32 to vector<16xi32>
      %select_n3A_310 = arith.select %eq3A_307, %get3A_244, %broadcast_in_dim3A_309 : vector<16xi1>, vector<16xi32>
      %reduce_sum3A_311 = arith.constant true
      %reduce_sum3A_312 = vector.broadcast %reduce_sum3A_311 : i1 to vector<16xi1>
      %reduce_sum3A_313 = tpu.scan <sum>, %select_n3A_310 masked %reduce_sum3A_312 : vector<16xi32>, vector<16xi1> -> vector<16xi32>
      %reduce_sum3A_314 = vector.extract %reduce_sum3A_313[15] : i32 from vector<16xi32>
      %eq3A_315 = arith.constant 7 : i32
      %eq3A_316 = vector.broadcast %eq3A_315 : i32 to vector<16xi32>
      %eq3A_317 = arith.cmpi eq, %iota3A, %eq3A_316 : vector<16xi32>
      %jit3A_318 = arith.constant 0 : i32
      %broadcast_in_dim3A_319 = vector.broadcast %jit3A_318 : i32 to vector<16xi32>
      %select_n3A_320 = arith.select %eq3A_317, %get3A_244, %broadcast_in_dim3A_319 : vector<16xi1>, vector<16xi32>
      %reduce_sum3A_321 = arith.constant true
      %reduce_sum3A_322 = vector.broadcast %reduce_sum3A_321 : i1 to vector<16xi1>
      %reduce_sum3A_323 = tpu.scan <sum>, %select_n3A_320 masked %reduce_sum3A_322 : vector<16xi32>, vector<16xi1> -> vector<16xi32>
      %reduce_sum3A_324 = vector.extract %reduce_sum3A_323[15] : i32 from vector<16xi32>
      %eq3A_325 = arith.constant 8 : i32
      %eq3A_326 = vector.broadcast %eq3A_325 : i32 to vector<16xi32>
      %eq3A_327 = arith.cmpi eq, %iota3A, %eq3A_326 : vector<16xi32>
      %jit3A_328 = arith.constant 0 : i32
      %broadcast_in_dim3A_329 = vector.broadcast %jit3A_328 : i32 to vector<16xi32>
      %select_n3A_330 = arith.select %eq3A_327, %get3A_244, %broadcast_in_dim3A_329 : vector<16xi1>, vector<16xi32>
      %reduce_sum3A_331 = arith.constant true
      %reduce_sum3A_332 = vector.broadcast %reduce_sum3A_331 : i1 to vector<16xi1>
      %reduce_sum3A_333 = tpu.scan <sum>, %select_n3A_330 masked %reduce_sum3A_332 : vector<16xi32>, vector<16xi1> -> vector<16xi32>
      %reduce_sum3A_334 = vector.extract %reduce_sum3A_333[15] : i32 from vector<16xi32>
      %eq3A_335 = arith.constant 9 : i32
      %eq3A_336 = vector.broadcast %eq3A_335 : i32 to vector<16xi32>
      %eq3A_337 = arith.cmpi eq, %iota3A, %eq3A_336 : vector<16xi32>
      %jit3A_338 = arith.constant 0 : i32
      %broadcast_in_dim3A_339 = vector.broadcast %jit3A_338 : i32 to vector<16xi32>
      %select_n3A_340 = arith.select %eq3A_337, %get3A_244, %broadcast_in_dim3A_339 : vector<16xi1>, vector<16xi32>
      %reduce_sum3A_341 = arith.constant true
      %reduce_sum3A_342 = vector.broadcast %reduce_sum3A_341 : i1 to vector<16xi1>
      %reduce_sum3A_343 = tpu.scan <sum>, %select_n3A_340 masked %reduce_sum3A_342 : vector<16xi32>, vector<16xi1> -> vector<16xi32>
      %reduce_sum3A_344 = vector.extract %reduce_sum3A_343[15] : i32 from vector<16xi32>
      %eq3A_345 = arith.constant 10 : i32
      %eq3A_346 = vector.broadcast %eq3A_345 : i32 to vector<16xi32>
      %eq3A_347 = arith.cmpi eq, %iota3A, %eq3A_346 : vector<16xi32>
      %jit3A_348 = arith.constant 0 : i32
      %broadcast_in_dim3A_349 = vector.broadcast %jit3A_348 : i32 to vector<16xi32>
      %select_n3A_350 = arith.select %eq3A_347, %get3A_244, %broadcast_in_dim3A_349 : vector<16xi1>, vector<16xi32>
      %reduce_sum3A_351 = arith.constant true
      %reduce_sum3A_352 = vector.broadcast %reduce_sum3A_351 : i1 to vector<16xi1>
      %reduce_sum3A_353 = tpu.scan <sum>, %select_n3A_350 masked %reduce_sum3A_352 : vector<16xi32>, vector<16xi1> -> vector<16xi32>
      %reduce_sum3A_354 = vector.extract %reduce_sum3A_353[15] : i32 from vector<16xi32>
      %eq3A_355 = arith.constant 11 : i32
      %eq3A_356 = vector.broadcast %eq3A_355 : i32 to vector<16xi32>
      %eq3A_357 = arith.cmpi eq, %iota3A, %eq3A_356 : vector<16xi32>
      %jit3A_358 = arith.constant 0 : i32
      %broadcast_in_dim3A_359 = vector.broadcast %jit3A_358 : i32 to vector<16xi32>
      %select_n3A_360 = arith.select %eq3A_357, %get3A_244, %broadcast_in_dim3A_359 : vector<16xi1>, vector<16xi32>
      %reduce_sum3A_361 = arith.constant true
      %reduce_sum3A_362 = vector.broadcast %reduce_sum3A_361 : i1 to vector<16xi1>
      %reduce_sum3A_363 = tpu.scan <sum>, %select_n3A_360 masked %reduce_sum3A_362 : vector<16xi32>, vector<16xi1> -> vector<16xi32>
      %reduce_sum3A_364 = vector.extract %reduce_sum3A_363[15] : i32 from vector<16xi32>
      %eq3A_365 = arith.constant 12 : i32
      %eq3A_366 = vector.broadcast %eq3A_365 : i32 to vector<16xi32>
      %eq3A_367 = arith.cmpi eq, %iota3A, %eq3A_366 : vector<16xi32>
      %jit3A_368 = arith.constant 0 : i32
      %broadcast_in_dim3A_369 = vector.broadcast %jit3A_368 : i32 to vector<16xi32>
      %select_n3A_370 = arith.select %eq3A_367, %get3A_244, %broadcast_in_dim3A_369 : vector<16xi1>, vector<16xi32>
      %reduce_sum3A_371 = arith.constant true
      %reduce_sum3A_372 = vector.broadcast %reduce_sum3A_371 : i1 to vector<16xi1>
      %reduce_sum3A_373 = tpu.scan <sum>, %select_n3A_370 masked %reduce_sum3A_372 : vector<16xi32>, vector<16xi1> -> vector<16xi32>
      %reduce_sum3A_374 = vector.extract %reduce_sum3A_373[15] : i32 from vector<16xi32>
      %eq3A_375 = arith.constant 13 : i32
      %eq3A_376 = vector.broadcast %eq3A_375 : i32 to vector<16xi32>
      %eq3A_377 = arith.cmpi eq, %iota3A, %eq3A_376 : vector<16xi32>
      %jit3A_378 = arith.constant 0 : i32
      %broadcast_in_dim3A_379 = vector.broadcast %jit3A_378 : i32 to vector<16xi32>
      %select_n3A_380 = arith.select %eq3A_377, %get3A_244, %broadcast_in_dim3A_379 : vector<16xi1>, vector<16xi32>
      %reduce_sum3A_381 = arith.constant true
      %reduce_sum3A_382 = vector.broadcast %reduce_sum3A_381 : i1 to vector<16xi1>
      %reduce_sum3A_383 = tpu.scan <sum>, %select_n3A_380 masked %reduce_sum3A_382 : vector<16xi32>, vector<16xi1> -> vector<16xi32>
      %reduce_sum3A_384 = vector.extract %reduce_sum3A_383[15] : i32 from vector<16xi32>
      %eq3A_385 = arith.constant 14 : i32
      %eq3A_386 = vector.broadcast %eq3A_385 : i32 to vector<16xi32>
      %eq3A_387 = arith.cmpi eq, %iota3A, %eq3A_386 : vector<16xi32>
      %jit3A_388 = arith.constant 0 : i32
      %broadcast_in_dim3A_389 = vector.broadcast %jit3A_388 : i32 to vector<16xi32>
      %select_n3A_390 = arith.select %eq3A_387, %get3A_244, %broadcast_in_dim3A_389 : vector<16xi1>, vector<16xi32>
      %reduce_sum3A_391 = arith.constant true
      %reduce_sum3A_392 = vector.broadcast %reduce_sum3A_391 : i1 to vector<16xi1>
      %reduce_sum3A_393 = tpu.scan <sum>, %select_n3A_390 masked %reduce_sum3A_392 : vector<16xi32>, vector<16xi1> -> vector<16xi32>
      %reduce_sum3A_394 = vector.extract %reduce_sum3A_393[15] : i32 from vector<16xi32>
      %eq3A_395 = arith.constant 15 : i32
      %eq3A_396 = vector.broadcast %eq3A_395 : i32 to vector<16xi32>
      %eq3A_397 = arith.cmpi eq, %iota3A, %eq3A_396 : vector<16xi32>
      %jit3A_398 = arith.constant 0 : i32
      %broadcast_in_dim3A_399 = vector.broadcast %jit3A_398 : i32 to vector<16xi32>
      %select_n3A_400 = arith.select %eq3A_397, %get3A_244, %broadcast_in_dim3A_399 : vector<16xi1>, vector<16xi32>
      %reduce_sum3A_401 = arith.constant true
      %reduce_sum3A_402 = vector.broadcast %reduce_sum3A_401 : i1 to vector<16xi1>
      %reduce_sum3A_403 = tpu.scan <sum>, %select_n3A_400 masked %reduce_sum3A_402 : vector<16xi32>, vector<16xi1> -> vector<16xi32>
      %reduce_sum3A_404 = vector.extract %reduce_sum3A_403[15] : i32 from vector<16xi32>
      %and3A_405 = arith.constant 127 : i32
      %and3A_406 = arith.andi %reduce_sum3A_334, %and3A_405 : i32
      %sub3A_407 = arith.subi %reduce_sum3A_334, %and3A_406 : i32
      %mul3A_408 = arith.constant 1 : i32
      %mul3A_409 = arith.muli %sub3A_407, %mul3A_408 : i32
      %multiple_of3A_410 = tpu.assume_multiple %mul3A_409, 128 : i32
      %dma_start3A_411 = arith.constant 1 : i32
      %dma_start3A_412 = arith.constant 0 : i32
      %dma_start3A_413 = arith.constant 0 : i32
      %dma_start3A_414 = arith.constant 0 : i32
      %dma_start3A_415 = tpu.memref_slice %arg6[%dma_start3A_411, %dma_start3A_412, %dma_start3A_413, %dma_start3A_414] : memref<2x8x32x128xf32, #tpu.memory_space<vmem>> -> memref<1x1x32x128xf32, #tpu.memory_space<vmem>>
      %dma_start3A_416 = tpu.memref_squeeze %dma_start3A_415 : memref<1x1x32x128xf32, #tpu.memory_space<vmem>> -> memref<32x128xf32, #tpu.memory_space<vmem>>
      %dma_start3A_417 = arith.constant 0 : i32
      %dma_start3A_418 = tpu.memref_slice %arg2[%dma_start3A_417, %multiple_of3A_410] : memref<32x1000000xf32, #tpu.memory_space<hbm>> -> memref<32x128xf32, #tpu.memory_space<hbm>>
      %dma_start3A_419 = arith.constant 0 : i32
      %dma_start3A_420 = arith.constant 0 : i32
      %dma_start3A_421 = tpu.memref_slice %arg6[%dma_start3A_411, %dma_start3A_412, %dma_start3A_419, %dma_start3A_420] : memref<2x8x32x128xf32, #tpu.memory_space<vmem>> -> memref<1x1x32x128xf32, #tpu.memory_space<vmem>>
      %dma_start3A_422 = tpu.memref_squeeze %dma_start3A_421 : memref<1x1x32x128xf32, #tpu.memory_space<vmem>> -> memref<32x128xf32, #tpu.memory_space<vmem>>
      %dma_start3A_423 = arith.constant 0 : i32
      %dma_start3A_424 = tpu.memref_slice %arg2[%dma_start3A_423, %multiple_of3A_410] : memref<32x1000000xf32, #tpu.memory_space<hbm>> -> memref<32x128xf32, #tpu.memory_space<hbm>>
      tpu.enqueue_dma source(%dma_start3A_424 : memref<32x128xf32, #tpu.memory_space<hbm>>) target(%dma_start3A_422 : memref<32x128xf32, #tpu.memory_space<vmem>>) target_semaphore(%arg9 : memref<!tpu.dma_semaphore, #tpu.memory_space<semaphore_mem>>)
      %and3A_425 = arith.constant 127 : i32
      %and3A_426 = arith.andi %reduce_sum3A_344, %and3A_425 : i32
      %sub3A_427 = arith.subi %reduce_sum3A_344, %and3A_426 : i32
      %mul3A_428 = arith.constant 1 : i32
      %mul3A_429 = arith.muli %sub3A_427, %mul3A_428 : i32
      %multiple_of3A_430 = tpu.assume_multiple %mul3A_429, 128 : i32
      %dma_start3A_431 = arith.constant 1 : i32
      %dma_start3A_432 = arith.constant 1 : i32
      %dma_start3A_433 = arith.constant 0 : i32
      %dma_start3A_434 = arith.constant 0 : i32
      %dma_start3A_435 = tpu.memref_slice %arg6[%dma_start3A_431, %dma_start3A_432, %dma_start3A_433, %dma_start3A_434] : memref<2x8x32x128xf32, #tpu.memory_space<vmem>> -> memref<1x1x32x128xf32, #tpu.memory_space<vmem>>
      %dma_start3A_436 = tpu.memref_squeeze %dma_start3A_435 : memref<1x1x32x128xf32, #tpu.memory_space<vmem>> -> memref<32x128xf32, #tpu.memory_space<vmem>>
      %dma_start3A_437 = arith.constant 0 : i32
      %dma_start3A_438 = tpu.memref_slice %arg2[%dma_start3A_437, %multiple_of3A_430] : memref<32x1000000xf32, #tpu.memory_space<hbm>> -> memref<32x128xf32, #tpu.memory_space<hbm>>
      %dma_start3A_439 = arith.constant 0 : i32
      %dma_start3A_440 = arith.constant 0 : i32
      %dma_start3A_441 = tpu.memref_slice %arg6[%dma_start3A_431, %dma_start3A_432, %dma_start3A_439, %dma_start3A_440] : memref<2x8x32x128xf32, #tpu.memory_space<vmem>> -> memref<1x1x32x128xf32, #tpu.memory_space<vmem>>
      %dma_start3A_442 = tpu.memref_squeeze %dma_start3A_441 : memref<1x1x32x128xf32, #tpu.memory_space<vmem>> -> memref<32x128xf32, #tpu.memory_space<vmem>>
      %dma_start3A_443 = arith.constant 0 : i32
      %dma_start3A_444 = tpu.memref_slice %arg2[%dma_start3A_443, %multiple_of3A_430] : memref<32x1000000xf32, #tpu.memory_space<hbm>> -> memref<32x128xf32, #tpu.memory_space<hbm>>
      tpu.enqueue_dma source(%dma_start3A_444 : memref<32x128xf32, #tpu.memory_space<hbm>>) target(%dma_start3A_442 : memref<32x128xf32, #tpu.memory_space<vmem>>) target_semaphore(%arg9 : memref<!tpu.dma_semaphore, #tpu.memory_space<semaphore_mem>>)
      %and3A_445 = arith.constant 127 : i32
      %and3A_446 = arith.andi %reduce_sum3A_354, %and3A_445 : i32
      %sub3A_447 = arith.subi %reduce_sum3A_354, %and3A_446 : i32
      %mul3A_448 = arith.constant 1 : i32
      %mul3A_449 = arith.muli %sub3A_447, %mul3A_448 : i32
      %multiple_of3A_450 = tpu.assume_multiple %mul3A_449, 128 : i32
      %dma_start3A_451 = arith.constant 1 : i32
      %dma_start3A_452 = arith.constant 2 : i32
      %dma_start3A_453 = arith.constant 0 : i32
      %dma_start3A_454 = arith.constant 0 : i32
      %dma_start3A_455 = tpu.memref_slice %arg6[%dma_start3A_451, %dma_start3A_452, %dma_start3A_453, %dma_start3A_454] : memref<2x8x32x128xf32, #tpu.memory_space<vmem>> -> memref<1x1x32x128xf32, #tpu.memory_space<vmem>>
      %dma_start3A_456 = tpu.memref_squeeze %dma_start3A_455 : memref<1x1x32x128xf32, #tpu.memory_space<vmem>> -> memref<32x128xf32, #tpu.memory_space<vmem>>
      %dma_start3A_457 = arith.constant 0 : i32
      %dma_start3A_458 = tpu.memref_slice %arg2[%dma_start3A_457, %multiple_of3A_450] : memref<32x1000000xf32, #tpu.memory_space<hbm>> -> memref<32x128xf32, #tpu.memory_space<hbm>>
      %dma_start3A_459 = arith.constant 0 : i32
      %dma_start3A_460 = arith.constant 0 : i32
      %dma_start3A_461 = tpu.memref_slice %arg6[%dma_start3A_451, %dma_start3A_452, %dma_start3A_459, %dma_start3A_460] : memref<2x8x32x128xf32, #tpu.memory_space<vmem>> -> memref<1x1x32x128xf32, #tpu.memory_space<vmem>>
      %dma_start3A_462 = tpu.memref_squeeze %dma_start3A_461 : memref<1x1x32x128xf32, #tpu.memory_space<vmem>> -> memref<32x128xf32, #tpu.memory_space<vmem>>
      %dma_start3A_463 = arith.constant 0 : i32
      %dma_start3A_464 = tpu.memref_slice %arg2[%dma_start3A_463, %multiple_of3A_450] : memref<32x1000000xf32, #tpu.memory_space<hbm>> -> memref<32x128xf32, #tpu.memory_space<hbm>>
      tpu.enqueue_dma source(%dma_start3A_464 : memref<32x128xf32, #tpu.memory_space<hbm>>) target(%dma_start3A_462 : memref<32x128xf32, #tpu.memory_space<vmem>>) target_semaphore(%arg9 : memref<!tpu.dma_semaphore, #tpu.memory_space<semaphore_mem>>)
      %and3A_465 = arith.constant 127 : i32
      %and3A_466 = arith.andi %reduce_sum3A_364, %and3A_465 : i32
      %sub3A_467 = arith.subi %reduce_sum3A_364, %and3A_466 : i32
      %mul3A_468 = arith.constant 1 : i32
      %mul3A_469 = arith.muli %sub3A_467, %mul3A_468 : i32
      %multiple_of3A_470 = tpu.assume_multiple %mul3A_469, 128 : i32
      %dma_start3A_471 = arith.constant 1 : i32
      %dma_start3A_472 = arith.constant 3 : i32
      %dma_start3A_473 = arith.constant 0 : i32
      %dma_start3A_474 = arith.constant 0 : i32
      %dma_start3A_475 = tpu.memref_slice %arg6[%dma_start3A_471, %dma_start3A_472, %dma_start3A_473, %dma_start3A_474] : memref<2x8x32x128xf32, #tpu.memory_space<vmem>> -> memref<1x1x32x128xf32, #tpu.memory_space<vmem>>
      %dma_start3A_476 = tpu.memref_squeeze %dma_start3A_475 : memref<1x1x32x128xf32, #tpu.memory_space<vmem>> -> memref<32x128xf32, #tpu.memory_space<vmem>>
      %dma_start3A_477 = arith.constant 0 : i32
      %dma_start3A_478 = tpu.memref_slice %arg2[%dma_start3A_477, %multiple_of3A_470] : memref<32x1000000xf32, #tpu.memory_space<hbm>> -> memref<32x128xf32, #tpu.memory_space<hbm>>
      %dma_start3A_479 = arith.constant 0 : i32
      %dma_start3A_480 = arith.constant 0 : i32
      %dma_start3A_481 = tpu.memref_slice %arg6[%dma_start3A_471, %dma_start3A_472, %dma_start3A_479, %dma_start3A_480] : memref<2x8x32x128xf32, #tpu.memory_space<vmem>> -> memref<1x1x32x128xf32, #tpu.memory_space<vmem>>
      %dma_start3A_482 = tpu.memref_squeeze %dma_start3A_481 : memref<1x1x32x128xf32, #tpu.memory_space<vmem>> -> memref<32x128xf32, #tpu.memory_space<vmem>>
      %dma_start3A_483 = arith.constant 0 : i32
      %dma_start3A_484 = tpu.memref_slice %arg2[%dma_start3A_483, %multiple_of3A_470] : memref<32x1000000xf32, #tpu.memory_space<hbm>> -> memref<32x128xf32, #tpu.memory_space<hbm>>
      tpu.enqueue_dma source(%dma_start3A_484 : memref<32x128xf32, #tpu.memory_space<hbm>>) target(%dma_start3A_482 : memref<32x128xf32, #tpu.memory_space<vmem>>) target_semaphore(%arg9 : memref<!tpu.dma_semaphore, #tpu.memory_space<semaphore_mem>>)
      %and3A_485 = arith.constant 127 : i32
      %and3A_486 = arith.andi %reduce_sum3A_374, %and3A_485 : i32
      %sub3A_487 = arith.subi %reduce_sum3A_374, %and3A_486 : i32
      %mul3A_488 = arith.constant 1 : i32
      %mul3A_489 = arith.muli %sub3A_487, %mul3A_488 : i32
      %multiple_of3A_490 = tpu.assume_multiple %mul3A_489, 128 : i32
      %dma_start3A_491 = arith.constant 1 : i32
      %dma_start3A_492 = arith.constant 4 : i32
      %dma_start3A_493 = arith.constant 0 : i32
      %dma_start3A_494 = arith.constant 0 : i32
      %dma_start3A_495 = tpu.memref_slice %arg6[%dma_start3A_491, %dma_start3A_492, %dma_start3A_493, %dma_start3A_494] : memref<2x8x32x128xf32, #tpu.memory_space<vmem>> -> memref<1x1x32x128xf32, #tpu.memory_space<vmem>>
      %dma_start3A_496 = tpu.memref_squeeze %dma_start3A_495 : memref<1x1x32x128xf32, #tpu.memory_space<vmem>> -> memref<32x128xf32, #tpu.memory_space<vmem>>
      %dma_start3A_497 = arith.constant 0 : i32
      %dma_start3A_498 = tpu.memref_slice %arg2[%dma_start3A_497, %multiple_of3A_490] : memref<32x1000000xf32, #tpu.memory_space<hbm>> -> memref<32x128xf32, #tpu.memory_space<hbm>>
      %dma_start3A_499 = arith.constant 0 : i32
      %dma_start3A_500 = arith.constant 0 : i32
      %dma_start3A_501 = tpu.memref_slice %arg6[%dma_start3A_491, %dma_start3A_492, %dma_start3A_499, %dma_start3A_500] : memref<2x8x32x128xf32, #tpu.memory_space<vmem>> -> memref<1x1x32x128xf32, #tpu.memory_space<vmem>>
      %dma_start3A_502 = tpu.memref_squeeze %dma_start3A_501 : memref<1x1x32x128xf32, #tpu.memory_space<vmem>> -> memref<32x128xf32, #tpu.memory_space<vmem>>
      %dma_start3A_503 = arith.constant 0 : i32
      %dma_start3A_504 = tpu.memref_slice %arg2[%dma_start3A_503, %multiple_of3A_490] : memref<32x1000000xf32, #tpu.memory_space<hbm>> -> memref<32x128xf32, #tpu.memory_space<hbm>>
      tpu.enqueue_dma source(%dma_start3A_504 : memref<32x128xf32, #tpu.memory_space<hbm>>) target(%dma_start3A_502 : memref<32x128xf32, #tpu.memory_space<vmem>>) target_semaphore(%arg9 : memref<!tpu.dma_semaphore, #tpu.memory_space<semaphore_mem>>)
      %and3A_505 = arith.constant 127 : i32
      %and3A_506 = arith.andi %reduce_sum3A_384, %and3A_505 : i32
      %sub3A_507 = arith.subi %reduce_sum3A_384, %and3A_506 : i32
      %mul3A_508 = arith.constant 1 : i32
      %mul3A_509 = arith.muli %sub3A_507, %mul3A_508 : i32
      %multiple_of3A_510 = tpu.assume_multiple %mul3A_509, 128 : i32
      %dma_start3A_511 = arith.constant 1 : i32
      %dma_start3A_512 = arith.constant 5 : i32
      %dma_start3A_513 = arith.constant 0 : i32
      %dma_start3A_514 = arith.constant 0 : i32
      %dma_start3A_515 = tpu.memref_slice %arg6[%dma_start3A_511, %dma_start3A_512, %dma_start3A_513, %dma_start3A_514] : memref<2x8x32x128xf32, #tpu.memory_space<vmem>> -> memref<1x1x32x128xf32, #tpu.memory_space<vmem>>
      %dma_start3A_516 = tpu.memref_squeeze %dma_start3A_515 : memref<1x1x32x128xf32, #tpu.memory_space<vmem>> -> memref<32x128xf32, #tpu.memory_space<vmem>>
      %dma_start3A_517 = arith.constant 0 : i32
      %dma_start3A_518 = tpu.memref_slice %arg2[%dma_start3A_517, %multiple_of3A_510] : memref<32x1000000xf32, #tpu.memory_space<hbm>> -> memref<32x128xf32, #tpu.memory_space<hbm>>
      %dma_start3A_519 = arith.constant 0 : i32
      %dma_start3A_520 = arith.constant 0 : i32
      %dma_start3A_521 = tpu.memref_slice %arg6[%dma_start3A_511, %dma_start3A_512, %dma_start3A_519, %dma_start3A_520] : memref<2x8x32x128xf32, #tpu.memory_space<vmem>> -> memref<1x1x32x128xf32, #tpu.memory_space<vmem>>
      %dma_start3A_522 = tpu.memref_squeeze %dma_start3A_521 : memref<1x1x32x128xf32, #tpu.memory_space<vmem>> -> memref<32x128xf32, #tpu.memory_space<vmem>>
      %dma_start3A_523 = arith.constant 0 : i32
      %dma_start3A_524 = tpu.memref_slice %arg2[%dma_start3A_523, %multiple_of3A_510] : memref<32x1000000xf32, #tpu.memory_space<hbm>> -> memref<32x128xf32, #tpu.memory_space<hbm>>
      tpu.enqueue_dma source(%dma_start3A_524 : memref<32x128xf32, #tpu.memory_space<hbm>>) target(%dma_start3A_522 : memref<32x128xf32, #tpu.memory_space<vmem>>) target_semaphore(%arg9 : memref<!tpu.dma_semaphore, #tpu.memory_space<semaphore_mem>>)
      %and3A_525 = arith.constant 127 : i32
      %and3A_526 = arith.andi %reduce_sum3A_394, %and3A_525 : i32
      %sub3A_527 = arith.subi %reduce_sum3A_394, %and3A_526 : i32
      %mul3A_528 = arith.constant 1 : i32
      %mul3A_529 = arith.muli %sub3A_527, %mul3A_528 : i32
      %multiple_of3A_530 = tpu.assume_multiple %mul3A_529, 128 : i32
      %dma_start3A_531 = arith.constant 1 : i32
      %dma_start3A_532 = arith.constant 6 : i32
      %dma_start3A_533 = arith.constant 0 : i32
      %dma_start3A_534 = arith.constant 0 : i32
      %dma_start3A_535 = tpu.memref_slice %arg6[%dma_start3A_531, %dma_start3A_532, %dma_start3A_533, %dma_start3A_534] : memref<2x8x32x128xf32, #tpu.memory_space<vmem>> -> memref<1x1x32x128xf32, #tpu.memory_space<vmem>>
      %dma_start3A_536 = tpu.memref_squeeze %dma_start3A_535 : memref<1x1x32x128xf32, #tpu.memory_space<vmem>> -> memref<32x128xf32, #tpu.memory_space<vmem>>
      %dma_start3A_537 = arith.constant 0 : i32
      %dma_start3A_538 = tpu.memref_slice %arg2[%dma_start3A_537, %multiple_of3A_530] : memref<32x1000000xf32, #tpu.memory_space<hbm>> -> memref<32x128xf32, #tpu.memory_space<hbm>>
      %dma_start3A_539 = arith.constant 0 : i32
      %dma_start3A_540 = arith.constant 0 : i32
      %dma_start3A_541 = tpu.memref_slice %arg6[%dma_start3A_531, %dma_start3A_532, %dma_start3A_539, %dma_start3A_540] : memref<2x8x32x128xf32, #tpu.memory_space<vmem>> -> memref<1x1x32x128xf32, #tpu.memory_space<vmem>>
      %dma_start3A_542 = tpu.memref_squeeze %dma_start3A_541 : memref<1x1x32x128xf32, #tpu.memory_space<vmem>> -> memref<32x128xf32, #tpu.memory_space<vmem>>
      %dma_start3A_543 = arith.constant 0 : i32
      %dma_start3A_544 = tpu.memref_slice %arg2[%dma_start3A_543, %multiple_of3A_530] : memref<32x1000000xf32, #tpu.memory_space<hbm>> -> memref<32x128xf32, #tpu.memory_space<hbm>>
      tpu.enqueue_dma source(%dma_start3A_544 : memref<32x128xf32, #tpu.memory_space<hbm>>) target(%dma_start3A_542 : memref<32x128xf32, #tpu.memory_space<vmem>>) target_semaphore(%arg9 : memref<!tpu.dma_semaphore, #tpu.memory_space<semaphore_mem>>)
      %and3A_545 = arith.constant 127 : i32
      %and3A_546 = arith.andi %reduce_sum3A_404, %and3A_545 : i32
      %sub3A_547 = arith.subi %reduce_sum3A_404, %and3A_546 : i32
      %mul3A_548 = arith.constant 1 : i32
      %mul3A_549 = arith.muli %sub3A_547, %mul3A_548 : i32
      %multiple_of3A_550 = tpu.assume_multiple %mul3A_549, 128 : i32
      %dma_start3A_551 = arith.constant 1 : i32
      %dma_start3A_552 = arith.constant 7 : i32
      %dma_start3A_553 = arith.constant 0 : i32
      %dma_start3A_554 = arith.constant 0 : i32
      %dma_start3A_555 = tpu.memref_slice %arg6[%dma_start3A_551, %dma_start3A_552, %dma_start3A_553, %dma_start3A_554] : memref<2x8x32x128xf32, #tpu.memory_space<vmem>> -> memref<1x1x32x128xf32, #tpu.memory_space<vmem>>
      %dma_start3A_556 = tpu.memref_squeeze %dma_start3A_555 : memref<1x1x32x128xf32, #tpu.memory_space<vmem>> -> memref<32x128xf32, #tpu.memory_space<vmem>>
      %dma_start3A_557 = arith.constant 0 : i32
      %dma_start3A_558 = tpu.memref_slice %arg2[%dma_start3A_557, %multiple_of3A_550] : memref<32x1000000xf32, #tpu.memory_space<hbm>> -> memref<32x128xf32, #tpu.memory_space<hbm>>
      %dma_start3A_559 = arith.constant 0 : i32
      %dma_start3A_560 = arith.constant 0 : i32
      %dma_start3A_561 = tpu.memref_slice %arg6[%dma_start3A_551, %dma_start3A_552, %dma_start3A_559, %dma_start3A_560] : memref<2x8x32x128xf32, #tpu.memory_space<vmem>> -> memref<1x1x32x128xf32, #tpu.memory_space<vmem>>
      %dma_start3A_562 = tpu.memref_squeeze %dma_start3A_561 : memref<1x1x32x128xf32, #tpu.memory_space<vmem>> -> memref<32x128xf32, #tpu.memory_space<vmem>>
      %dma_start3A_563 = arith.constant 0 : i32
      %dma_start3A_564 = tpu.memref_slice %arg2[%dma_start3A_563, %multiple_of3A_550] : memref<32x1000000xf32, #tpu.memory_space<hbm>> -> memref<32x128xf32, #tpu.memory_space<hbm>>
      tpu.enqueue_dma source(%dma_start3A_564 : memref<32x128xf32, #tpu.memory_space<hbm>>) target(%dma_start3A_562 : memref<32x128xf32, #tpu.memory_space<vmem>>) target_semaphore(%arg9 : memref<!tpu.dma_semaphore, #tpu.memory_space<semaphore_mem>>)
      %dma_wait3A = arith.constant 0 : i32
      %dma_wait3A_565 = arith.constant 0 : i32
      %dma_wait3A_566 = arith.constant 0 : i32
      %dma_wait3A_567 = arith.constant 0 : i32
      %dma_wait3A_568 = tpu.memref_slice %arg6[%dma_wait3A, %dma_wait3A_565, %dma_wait3A_566, %dma_wait3A_567] : memref<2x8x32x128xf32, #tpu.memory_space<vmem>> -> memref<1x8x32x128xf32, #tpu.memory_space<vmem>>
      %dma_wait3A_569 = tpu.memref_squeeze %dma_wait3A_568 : memref<1x8x32x128xf32, #tpu.memory_space<vmem>> -> memref<8x32x128xf32, #tpu.memory_space<vmem>>
      %dma_wait3A_570 = arith.constant 0 : i32
      %dma_wait3A_571 = arith.constant 0 : i32
      %dma_wait3A_572 = tpu.memref_slice %arg2[%dma_wait3A_570, %dma_wait3A_571] : memref<32x1000000xf32, #tpu.memory_space<hbm>> -> memref<32x1024xf32, #tpu.memory_space<hbm>>
      %dma_wait3A_573 = arith.constant 0 : i32
      %dma_wait3A_574 = arith.constant 0 : i32
      %dma_wait3A_575 = arith.constant 0 : i32
      %dma_wait3A_576 = tpu.memref_slice %arg6[%dma_wait3A, %dma_wait3A_573, %dma_wait3A_574, %dma_wait3A_575] : memref<2x8x32x128xf32, #tpu.memory_space<vmem>> -> memref<1x8x32x128xf32, #tpu.memory_space<vmem>>
      %dma_wait3A_577 = tpu.memref_squeeze %dma_wait3A_576 : memref<1x8x32x128xf32, #tpu.memory_space<vmem>> -> memref<8x32x128xf32, #tpu.memory_space<vmem>>
      %dma_wait3A_578 = arith.constant 0 : i32
      %dma_wait3A_579 = arith.constant 0 : i32
      %dma_wait3A_580 = tpu.memref_slice %arg2[%dma_wait3A_578, %dma_wait3A_579] : memref<32x1000000xf32, #tpu.memory_space<hbm>> -> memref<32x1024xf32, #tpu.memory_space<hbm>>
      tpu.wait_dma2 semaphore(%arg8 : memref<!tpu.dma_semaphore, #tpu.memory_space<semaphore_mem>>) src(%dma_wait3A_580 : memref<32x1024xf32, #tpu.memory_space<hbm>>) dst(%dma_wait3A_577 : memref<8x32x128xf32, #tpu.memory_space<vmem>>)
      %mul3A_581 = arith.constant 2 : i32
      %mul3A_582 = arith.muli %mul3A_581, %scan3A_240 : i32
      %mul3A_583 = arith.constant 8 : i32
      %mul3A_584 = arith.muli %mul3A_582, %mul3A_583 : i32
      %add3A_585 = arith.constant 0 : i32
      %add3A_586 = arith.addi %mul3A_584, %add3A_585 : i32
      %and3A_587 = arith.constant 127 : i32
      %and3A_588 = arith.andi %reduce_sum3A_254, %and3A_587 : i32
      %broadcast_in_dim3A_589 = vector.broadcast %and3A_588 : i32 to vector<16xi32>
      %broadcast_in_dim3A_590 = vector.broadcast %add3A_586 : i32 to vector<16xi32>
      %add3A_591 = arith.constant 0 : i32
      %add3A_592 = vector.broadcast %add3A_591 : i32 to vector<16xi32>
      %add3A_593 = arith.addi %iota3A, %add3A_592 : vector<16xi32>
      %gather3A = arith.constant 0 : i32
      %gather3A_594 = arith.constant 0 : i32
      %gather3A_595 = arith.constant 0 : i32
      %gather3A_596 = arith.constant 0 : i32
      %gather3A_597 = tpu.memref_slice %arg6[%gather3A, %gather3A_594, %gather3A_595, %gather3A_596] : memref<2x8x32x128xf32, #tpu.memory_space<vmem>> -> memref<1x1x32x128xf32, #tpu.memory_space<vmem>>
      %gather3A_598 = tpu.memref_squeeze %gather3A_597 : memref<1x1x32x128xf32, #tpu.memory_space<vmem>> -> memref<32x128xf32, #tpu.memory_space<vmem>>
      %gather3A_599 = tpu.vector_load_idx %gather3A_598[%add3A_593, %broadcast_in_dim3A_589] : memref<32x128xf32, #tpu.memory_space<vmem>>[vector<16xi32>, vector<16xi32>], vector<16xf32>,
      tpu.vector_store_idx %arg7[%add3A_593, %broadcast_in_dim3A_590], %gather3A_599 : memref<32x512xf32, #tpu.memory_space<vmem>>[vector<16xi32>, vector<16xi32>], vector<16xf32>,
      %add3A_600 = arith.constant 16 : i32
      %add3A_601 = vector.broadcast %add3A_600 : i32 to vector<16xi32>
      %add3A_602 = arith.addi %iota3A, %add3A_601 : vector<16xi32>
      %gather3A_603 = arith.constant 0 : i32
      %gather3A_604 = arith.constant 0 : i32
      %gather3A_605 = arith.constant 0 : i32
      %gather3A_606 = arith.constant 0 : i32
      %gather3A_607 = tpu.memref_slice %arg6[%gather3A_603, %gather3A_604, %gather3A_605, %gather3A_606] : memref<2x8x32x128xf32, #tpu.memory_space<vmem>> -> memref<1x1x32x128xf32, #tpu.memory_space<vmem>>
      %gather3A_608 = tpu.memref_squeeze %gather3A_607 : memref<1x1x32x128xf32, #tpu.memory_space<vmem>> -> memref<32x128xf32, #tpu.memory_space<vmem>>
      %gather3A_609 = tpu.vector_load_idx %gather3A_608[%add3A_602, %broadcast_in_dim3A_589] : memref<32x128xf32, #tpu.memory_space<vmem>>[vector<16xi32>, vector<16xi32>], vector<16xf32>,
      tpu.vector_store_idx %arg7[%add3A_602, %broadcast_in_dim3A_590], %gather3A_609 : memref<32x512xf32, #tpu.memory_space<vmem>>[vector<16xi32>, vector<16xi32>], vector<16xf32>,
      %mul3A_610 = arith.constant 8 : i32
      %mul3A_611 = arith.muli %mul3A_582, %mul3A_610 : i32
      %add3A_612 = arith.constant 1 : i32
      %add3A_613 = arith.addi %mul3A_611, %add3A_612 : i32
      %and3A_614 = arith.constant 127 : i32
      %and3A_615 = arith.andi %reduce_sum3A_264, %and3A_614 : i32
      %broadcast_in_dim3A_616 = vector.broadcast %and3A_615 : i32 to vector<16xi32>
      %broadcast_in_dim3A_617 = vector.broadcast %add3A_613 : i32 to vector<16xi32>
      %add3A_618 = arith.constant 0 : i32
      %add3A_619 = vector.broadcast %add3A_618 : i32 to vector<16xi32>
      %add3A_620 = arith.addi %iota3A, %add3A_619 : vector<16xi32>
      %gather3A_621 = arith.constant 0 : i32
      %gather3A_622 = arith.constant 1 : i32
      %gather3A_623 = arith.constant 0 : i32
      %gather3A_624 = arith.constant 0 : i32
      %gather3A_625 = tpu.memref_slice %arg6[%gather3A_621, %gather3A_622, %gather3A_623, %gather3A_624] : memref<2x8x32x128xf32, #tpu.memory_space<vmem>> -> memref<1x1x32x128xf32, #tpu.memory_space<vmem>>
      %gather3A_626 = tpu.memref_squeeze %gather3A_625 : memref<1x1x32x128xf32, #tpu.memory_space<vmem>> -> memref<32x128xf32, #tpu.memory_space<vmem>>
      %gather3A_627 = tpu.vector_load_idx %gather3A_626[%add3A_620, %broadcast_in_dim3A_616] : memref<32x128xf32, #tpu.memory_space<vmem>>[vector<16xi32>, vector<16xi32>], vector<16xf32>,
      tpu.vector_store_idx %arg7[%add3A_620, %broadcast_in_dim3A_617], %gather3A_627 : memref<32x512xf32, #tpu.memory_space<vmem>>[vector<16xi32>, vector<16xi32>], vector<16xf32>,
      %add3A_628 = arith.constant 16 : i32
      %add3A_629 = vector.broadcast %add3A_628 : i32 to vector<16xi32>
      %add3A_630 = arith.addi %iota3A, %add3A_629 : vector<16xi32>
      %gather3A_631 = arith.constant 0 : i32
      %gather3A_632 = arith.constant 1 : i32
      %gather3A_633 = arith.constant 0 : i32
      %gather3A_634 = arith.constant 0 : i32
      %gather3A_635 = tpu.memref_slice %arg6[%gather3A_631, %gather3A_632, %gather3A_633, %gather3A_634] : memref<2x8x32x128xf32, #tpu.memory_space<vmem>> -> memref<1x1x32x128xf32, #tpu.memory_space<vmem>>
      %gather3A_636 = tpu.memref_squeeze %gather3A_635 : memref<1x1x32x128xf32, #tpu.memory_space<vmem>> -> memref<32x128xf32, #tpu.memory_space<vmem>>
      %gather3A_637 = tpu.vector_load_idx %gather3A_636[%add3A_630, %broadcast_in_dim3A_616] : memref<32x128xf32, #tpu.memory_space<vmem>>[vector<16xi32>, vector<16xi32>], vector<16xf32>,
      tpu.vector_store_idx %arg7[%add3A_630, %broadcast_in_dim3A_617], %gather3A_637 : memref<32x512xf32, #tpu.memory_space<vmem>>[vector<16xi32>, vector<16xi32>], vector<16xf32>,
      %mul3A_638 = arith.constant 8 : i32
      %mul3A_639 = arith.muli %mul3A_582, %mul3A_638 : i32
      %add3A_640 = arith.constant 2 : i32
      %add3A_641 = arith.addi %mul3A_639, %add3A_640 : i32
      %and3A_642 = arith.constant 127 : i32
      %and3A_643 = arith.andi %reduce_sum3A_274, %and3A_642 : i32
      %broadcast_in_dim3A_644 = vector.broadcast %and3A_643 : i32 to vector<16xi32>
      %broadcast_in_dim3A_645 = vector.broadcast %add3A_641 : i32 to vector<16xi32>
      %add3A_646 = arith.constant 0 : i32
      %add3A_647 = vector.broadcast %add3A_646 : i32 to vector<16xi32>
      %add3A_648 = arith.addi %iota3A, %add3A_647 : vector<16xi32>
      %gather3A_649 = arith.constant 0 : i32
      %gather3A_650 = arith.constant 2 : i32
      %gather3A_651 = arith.constant 0 : i32
      %gather3A_652 = arith.constant 0 : i32
      %gather3A_653 = tpu.memref_slice %arg6[%gather3A_649, %gather3A_650, %gather3A_651, %gather3A_652] : memref<2x8x32x128xf32, #tpu.memory_space<vmem>> -> memref<1x1x32x128xf32, #tpu.memory_space<vmem>>
      %gather3A_654 = tpu.memref_squeeze %gather3A_653 : memref<1x1x32x128xf32, #tpu.memory_space<vmem>> -> memref<32x128xf32, #tpu.memory_space<vmem>>
      %gather3A_655 = tpu.vector_load_idx %gather3A_654[%add3A_648, %broadcast_in_dim3A_644] : memref<32x128xf32, #tpu.memory_space<vmem>>[vector<16xi32>, vector<16xi32>], vector<16xf32>,
      tpu.vector_store_idx %arg7[%add3A_648, %broadcast_in_dim3A_645], %gather3A_655 : memref<32x512xf32, #tpu.memory_space<vmem>>[vector<16xi32>, vector<16xi32>], vector<16xf32>,
      %add3A_656 = arith.constant 16 : i32
      %add3A_657 = vector.broadcast %add3A_656 : i32 to vector<16xi32>
      %add3A_658 = arith.addi %iota3A, %add3A_657 : vector<16xi32>
      %gather3A_659 = arith.constant 0 : i32
      %gather3A_660 = arith.constant 2 : i32
      %gather3A_661 = arith.constant 0 : i32
      %gather3A_662 = arith.constant 0 : i32
      %gather3A_663 = tpu.memref_slice %arg6[%gather3A_659, %gather3A_660, %gather3A_661, %gather3A_662] : memref<2x8x32x128xf32, #tpu.memory_space<vmem>> -> memref<1x1x32x128xf32, #tpu.memory_space<vmem>>
      %gather3A_664 = tpu.memref_squeeze %gather3A_663 : memref<1x1x32x128xf32, #tpu.memory_space<vmem>> -> memref<32x128xf32, #tpu.memory_space<vmem>>
      %gather3A_665 = tpu.vector_load_idx %gather3A_664[%add3A_658, %broadcast_in_dim3A_644] : memref<32x128xf32, #tpu.memory_space<vmem>>[vector<16xi32>, vector<16xi32>], vector<16xf32>,
      tpu.vector_store_idx %arg7[%add3A_658, %broadcast_in_dim3A_645], %gather3A_665 : memref<32x512xf32, #tpu.memory_space<vmem>>[vector<16xi32>, vector<16xi32>], vector<16xf32>,
      %mul3A_666 = arith.constant 8 : i32
      %mul3A_667 = arith.muli %mul3A_582, %mul3A_666 : i32
      %add3A_668 = arith.constant 3 : i32
      %add3A_669 = arith.addi %mul3A_667, %add3A_668 : i32
      %and3A_670 = arith.constant 127 : i32
      %and3A_671 = arith.andi %reduce_sum3A_284, %and3A_670 : i32
      %broadcast_in_dim3A_672 = vector.broadcast %and3A_671 : i32 to vector<16xi32>
      %broadcast_in_dim3A_673 = vector.broadcast %add3A_669 : i32 to vector<16xi32>
      %add3A_674 = arith.constant 0 : i32
      %add3A_675 = vector.broadcast %add3A_674 : i32 to vector<16xi32>
      %add3A_676 = arith.addi %iota3A, %add3A_675 : vector<16xi32>
      %gather3A_677 = arith.constant 0 : i32
      %gather3A_678 = arith.constant 3 : i32
      %gather3A_679 = arith.constant 0 : i32
      %gather3A_680 = arith.constant 0 : i32
      %gather3A_681 = tpu.memref_slice %arg6[%gather3A_677, %gather3A_678, %gather3A_679, %gather3A_680] : memref<2x8x32x128xf32, #tpu.memory_space<vmem>> -> memref<1x1x32x128xf32, #tpu.memory_space<vmem>>
      %gather3A_682 = tpu.memref_squeeze %gather3A_681 : memref<1x1x32x128xf32, #tpu.memory_space<vmem>> -> memref<32x128xf32, #tpu.memory_space<vmem>>
      %gather3A_683 = tpu.vector_load_idx %gather3A_682[%add3A_676, %broadcast_in_dim3A_672] : memref<32x128xf32, #tpu.memory_space<vmem>>[vector<16xi32>, vector<16xi32>], vector<16xf32>,
      tpu.vector_store_idx %arg7[%add3A_676, %broadcast_in_dim3A_673], %gather3A_683 : memref<32x512xf32, #tpu.memory_space<vmem>>[vector<16xi32>, vector<16xi32>], vector<16xf32>,
      %add3A_684 = arith.constant 16 : i32
      %add3A_685 = vector.broadcast %add3A_684 : i32 to vector<16xi32>
      %add3A_686 = arith.addi %iota3A, %add3A_685 : vector<16xi32>
      %gather3A_687 = arith.constant 0 : i32
      %gather3A_688 = arith.constant 3 : i32
      %gather3A_689 = arith.constant 0 : i32
      %gather3A_690 = arith.constant 0 : i32
      %gather3A_691 = tpu.memref_slice %arg6[%gather3A_687, %gather3A_688, %gather3A_689, %gather3A_690] : memref<2x8x32x128xf32, #tpu.memory_space<vmem>> -> memref<1x1x32x128xf32, #tpu.memory_space<vmem>>
      %gather3A_692 = tpu.memref_squeeze %gather3A_691 : memref<1x1x32x128xf32, #tpu.memory_space<vmem>> -> memref<32x128xf32, #tpu.memory_space<vmem>>
      %gather3A_693 = tpu.vector_load_idx %gather3A_692[%add3A_686, %broadcast_in_dim3A_672] : memref<32x128xf32, #tpu.memory_space<vmem>>[vector<16xi32>, vector<16xi32>], vector<16xf32>,
      tpu.vector_store_idx %arg7[%add3A_686, %broadcast_in_dim3A_673], %gather3A_693 : memref<32x512xf32, #tpu.memory_space<vmem>>[vector<16xi32>, vector<16xi32>], vector<16xf32>,
      %mul3A_694 = arith.constant 8 : i32
      %mul3A_695 = arith.muli %mul3A_582, %mul3A_694 : i32
      %add3A_696 = arith.constant 4 : i32
      %add3A_697 = arith.addi %mul3A_695, %add3A_696 : i32
      %and3A_698 = arith.constant 127 : i32
      %and3A_699 = arith.andi %reduce_sum3A_294, %and3A_698 : i32
      %broadcast_in_dim3A_700 = vector.broadcast %and3A_699 : i32 to vector<16xi32>
      %broadcast_in_dim3A_701 = vector.broadcast %add3A_697 : i32 to vector<16xi32>
      %add3A_702 = arith.constant 0 : i32
      %add3A_703 = vector.broadcast %add3A_702 : i32 to vector<16xi32>
      %add3A_704 = arith.addi %iota3A, %add3A_703 : vector<16xi32>
      %gather3A_705 = arith.constant 0 : i32
      %gather3A_706 = arith.constant 4 : i32
      %gather3A_707 = arith.constant 0 : i32
      %gather3A_708 = arith.constant 0 : i32
      %gather3A_709 = tpu.memref_slice %arg6[%gather3A_705, %gather3A_706, %gather3A_707, %gather3A_708] : memref<2x8x32x128xf32, #tpu.memory_space<vmem>> -> memref<1x1x32x128xf32, #tpu.memory_space<vmem>>
      %gather3A_710 = tpu.memref_squeeze %gather3A_709 : memref<1x1x32x128xf32, #tpu.memory_space<vmem>> -> memref<32x128xf32, #tpu.memory_space<vmem>>
      %gather3A_711 = tpu.vector_load_idx %gather3A_710[%add3A_704, %broadcast_in_dim3A_700] : memref<32x128xf32, #tpu.memory_space<vmem>>[vector<16xi32>, vector<16xi32>], vector<16xf32>,
      tpu.vector_store_idx %arg7[%add3A_704, %broadcast_in_dim3A_701], %gather3A_711 : memref<32x512xf32, #tpu.memory_space<vmem>>[vector<16xi32>, vector<16xi32>], vector<16xf32>,
      %add3A_712 = arith.constant 16 : i32
      %add3A_713 = vector.broadcast %add3A_712 : i32 to vector<16xi32>
      %add3A_714 = arith.addi %iota3A, %add3A_713 : vector<16xi32>
      %gather3A_715 = arith.constant 0 : i32
      %gather3A_716 = arith.constant 4 : i32
      %gather3A_717 = arith.constant 0 : i32
      %gather3A_718 = arith.constant 0 : i32
      %gather3A_719 = tpu.memref_slice %arg6[%gather3A_715, %gather3A_716, %gather3A_717, %gather3A_718] : memref<2x8x32x128xf32, #tpu.memory_space<vmem>> -> memref<1x1x32x128xf32, #tpu.memory_space<vmem>>
      %gather3A_720 = tpu.memref_squeeze %gather3A_719 : memref<1x1x32x128xf32, #tpu.memory_space<vmem>> -> memref<32x128xf32, #tpu.memory_space<vmem>>
      %gather3A_721 = tpu.vector_load_idx %gather3A_720[%add3A_714, %broadcast_in_dim3A_700] : memref<32x128xf32, #tpu.memory_space<vmem>>[vector<16xi32>, vector<16xi32>], vector<16xf32>,
      tpu.vector_store_idx %arg7[%add3A_714, %broadcast_in_dim3A_701], %gather3A_721 : memref<32x512xf32, #tpu.memory_space<vmem>>[vector<16xi32>, vector<16xi32>], vector<16xf32>,
      %mul3A_722 = arith.constant 8 : i32
      %mul3A_723 = arith.muli %mul3A_582, %mul3A_722 : i32
      %add3A_724 = arith.constant 5 : i32
      %add3A_725 = arith.addi %mul3A_723, %add3A_724 : i32
      %and3A_726 = arith.constant 127 : i32
      %and3A_727 = arith.andi %reduce_sum3A_304, %and3A_726 : i32
      %broadcast_in_dim3A_728 = vector.broadcast %and3A_727 : i32 to vector<16xi32>
      %broadcast_in_dim3A_729 = vector.broadcast %add3A_725 : i32 to vector<16xi32>
      %add3A_730 = arith.constant 0 : i32
      %add3A_731 = vector.broadcast %add3A_730 : i32 to vector<16xi32>
      %add3A_732 = arith.addi %iota3A, %add3A_731 : vector<16xi32>
      %gather3A_733 = arith.constant 0 : i32
      %gather3A_734 = arith.constant 5 : i32
      %gather3A_735 = arith.constant 0 : i32
      %gather3A_736 = arith.constant 0 : i32
      %gather3A_737 = tpu.memref_slice %arg6[%gather3A_733, %gather3A_734, %gather3A_735, %gather3A_736] : memref<2x8x32x128xf32, #tpu.memory_space<vmem>> -> memref<1x1x32x128xf32, #tpu.memory_space<vmem>>
      %gather3A_738 = tpu.memref_squeeze %gather3A_737 : memref<1x1x32x128xf32, #tpu.memory_space<vmem>> -> memref<32x128xf32, #tpu.memory_space<vmem>>
      %gather3A_739 = tpu.vector_load_idx %gather3A_738[%add3A_732, %broadcast_in_dim3A_728] : memref<32x128xf32, #tpu.memory_space<vmem>>[vector<16xi32>, vector<16xi32>], vector<16xf32>,
      tpu.vector_store_idx %arg7[%add3A_732, %broadcast_in_dim3A_729], %gather3A_739 : memref<32x512xf32, #tpu.memory_space<vmem>>[vector<16xi32>, vector<16xi32>], vector<16xf32>,
      %add3A_740 = arith.constant 16 : i32
      %add3A_741 = vector.broadcast %add3A_740 : i32 to vector<16xi32>
      %add3A_742 = arith.addi %iota3A, %add3A_741 : vector<16xi32>
      %gather3A_743 = arith.constant 0 : i32
      %gather3A_744 = arith.constant 5 : i32
      %gather3A_745 = arith.constant 0 : i32
      %gather3A_746 = arith.constant 0 : i32
      %gather3A_747 = tpu.memref_slice %arg6[%gather3A_743, %gather3A_744, %gather3A_745, %gather3A_746] : memref<2x8x32x128xf32, #tpu.memory_space<vmem>> -> memref<1x1x32x128xf32, #tpu.memory_space<vmem>>
      %gather3A_748 = tpu.memref_squeeze %gather3A_747 : memref<1x1x32x128xf32, #tpu.memory_space<vmem>> -> memref<32x128xf32, #tpu.memory_space<vmem>>
      %gather3A_749 = tpu.vector_load_idx %gather3A_748[%add3A_742, %broadcast_in_dim3A_728] : memref<32x128xf32, #tpu.memory_space<vmem>>[vector<16xi32>, vector<16xi32>], vector<16xf32>,
      tpu.vector_store_idx %arg7[%add3A_742, %broadcast_in_dim3A_729], %gather3A_749 : memref<32x512xf32, #tpu.memory_space<vmem>>[vector<16xi32>, vector<16xi32>], vector<16xf32>,
      %mul3A_750 = arith.constant 8 : i32
      %mul3A_751 = arith.muli %mul3A_582, %mul3A_750 : i32
      %add3A_752 = arith.constant 6 : i32
      %add3A_753 = arith.addi %mul3A_751, %add3A_752 : i32
      %and3A_754 = arith.constant 127 : i32
      %and3A_755 = arith.andi %reduce_sum3A_314, %and3A_754 : i32
      %broadcast_in_dim3A_756 = vector.broadcast %and3A_755 : i32 to vector<16xi32>
      %broadcast_in_dim3A_757 = vector.broadcast %add3A_753 : i32 to vector<16xi32>
      %add3A_758 = arith.constant 0 : i32
      %add3A_759 = vector.broadcast %add3A_758 : i32 to vector<16xi32>
      %add3A_760 = arith.addi %iota3A, %add3A_759 : vector<16xi32>
      %gather3A_761 = arith.constant 0 : i32
      %gather3A_762 = arith.constant 6 : i32
      %gather3A_763 = arith.constant 0 : i32
      %gather3A_764 = arith.constant 0 : i32
      %gather3A_765 = tpu.memref_slice %arg6[%gather3A_761, %gather3A_762, %gather3A_763, %gather3A_764] : memref<2x8x32x128xf32, #tpu.memory_space<vmem>> -> memref<1x1x32x128xf32, #tpu.memory_space<vmem>>
      %gather3A_766 = tpu.memref_squeeze %gather3A_765 : memref<1x1x32x128xf32, #tpu.memory_space<vmem>> -> memref<32x128xf32, #tpu.memory_space<vmem>>
      %gather3A_767 = tpu.vector_load_idx %gather3A_766[%add3A_760, %broadcast_in_dim3A_756] : memref<32x128xf32, #tpu.memory_space<vmem>>[vector<16xi32>, vector<16xi32>], vector<16xf32>,
      tpu.vector_store_idx %arg7[%add3A_760, %broadcast_in_dim3A_757], %gather3A_767 : memref<32x512xf32, #tpu.memory_space<vmem>>[vector<16xi32>, vector<16xi32>], vector<16xf32>,
      %add3A_768 = arith.constant 16 : i32
      %add3A_769 = vector.broadcast %add3A_768 : i32 to vector<16xi32>
      %add3A_770 = arith.addi %iota3A, %add3A_769 : vector<16xi32>
      %gather3A_771 = arith.constant 0 : i32
      %gather3A_772 = arith.constant 6 : i32
      %gather3A_773 = arith.constant 0 : i32
      %gather3A_774 = arith.constant 0 : i32
      %gather3A_775 = tpu.memref_slice %arg6[%gather3A_771, %gather3A_772, %gather3A_773, %gather3A_774] : memref<2x8x32x128xf32, #tpu.memory_space<vmem>> -> memref<1x1x32x128xf32, #tpu.memory_space<vmem>>
      %gather3A_776 = tpu.memref_squeeze %gather3A_775 : memref<1x1x32x128xf32, #tpu.memory_space<vmem>> -> memref<32x128xf32, #tpu.memory_space<vmem>>
      %gather3A_777 = tpu.vector_load_idx %gather3A_776[%add3A_770, %broadcast_in_dim3A_756] : memref<32x128xf32, #tpu.memory_space<vmem>>[vector<16xi32>, vector<16xi32>], vector<16xf32>,
      tpu.vector_store_idx %arg7[%add3A_770, %broadcast_in_dim3A_757], %gather3A_777 : memref<32x512xf32, #tpu.memory_space<vmem>>[vector<16xi32>, vector<16xi32>], vector<16xf32>,
      %mul3A_778 = arith.constant 8 : i32
      %mul3A_779 = arith.muli %mul3A_582, %mul3A_778 : i32
      %add3A_780 = arith.constant 7 : i32
      %add3A_781 = arith.addi %mul3A_779, %add3A_780 : i32
      %and3A_782 = arith.constant 127 : i32
      %and3A_783 = arith.andi %reduce_sum3A_324, %and3A_782 : i32
      %broadcast_in_dim3A_784 = vector.broadcast %and3A_783 : i32 to vector<16xi32>
      %broadcast_in_dim3A_785 = vector.broadcast %add3A_781 : i32 to vector<16xi32>
      %add3A_786 = arith.constant 0 : i32
      %add3A_787 = vector.broadcast %add3A_786 : i32 to vector<16xi32>
      %add3A_788 = arith.addi %iota3A, %add3A_787 : vector<16xi32>
      %gather3A_789 = arith.constant 0 : i32
      %gather3A_790 = arith.constant 7 : i32
      %gather3A_791 = arith.constant 0 : i32
      %gather3A_792 = arith.constant 0 : i32
      %gather3A_793 = tpu.memref_slice %arg6[%gather3A_789, %gather3A_790, %gather3A_791, %gather3A_792] : memref<2x8x32x128xf32, #tpu.memory_space<vmem>> -> memref<1x1x32x128xf32, #tpu.memory_space<vmem>>
      %gather3A_794 = tpu.memref_squeeze %gather3A_793 : memref<1x1x32x128xf32, #tpu.memory_space<vmem>> -> memref<32x128xf32, #tpu.memory_space<vmem>>
      %gather3A_795 = tpu.vector_load_idx %gather3A_794[%add3A_788, %broadcast_in_dim3A_784] : memref<32x128xf32, #tpu.memory_space<vmem>>[vector<16xi32>, vector<16xi32>], vector<16xf32>,
      tpu.vector_store_idx %arg7[%add3A_788, %broadcast_in_dim3A_785], %gather3A_795 : memref<32x512xf32, #tpu.memory_space<vmem>>[vector<16xi32>, vector<16xi32>], vector<16xf32>,
      %add3A_796 = arith.constant 16 : i32
      %add3A_797 = vector.broadcast %add3A_796 : i32 to vector<16xi32>
      %add3A_798 = arith.addi %iota3A, %add3A_797 : vector<16xi32>
      %gather3A_799 = arith.constant 0 : i32
      %gather3A_800 = arith.constant 7 : i32
      %gather3A_801 = arith.constant 0 : i32
      %gather3A_802 = arith.constant 0 : i32
      %gather3A_803 = tpu.memref_slice %arg6[%gather3A_799, %gather3A_800, %gather3A_801, %gather3A_802] : memref<2x8x32x128xf32, #tpu.memory_space<vmem>> -> memref<1x1x32x128xf32, #tpu.memory_space<vmem>>
      %gather3A_804 = tpu.memref_squeeze %gather3A_803 : memref<1x1x32x128xf32, #tpu.memory_space<vmem>> -> memref<32x128xf32, #tpu.memory_space<vmem>>
      %gather3A_805 = tpu.vector_load_idx %gather3A_804[%add3A_798, %broadcast_in_dim3A_784] : memref<32x128xf32, #tpu.memory_space<vmem>>[vector<16xi32>, vector<16xi32>], vector<16xf32>,
      tpu.vector_store_idx %arg7[%add3A_798, %broadcast_in_dim3A_785], %gather3A_805 : memref<32x512xf32, #tpu.memory_space<vmem>>[vector<16xi32>, vector<16xi32>], vector<16xf32>,
      %add3A_806 = arith.constant 1 : i32
      %add3A_807 = arith.addi %scan3A_240, %add3A_806 : i32
      %lt3A = arith.constant 32 : i32
      %lt3A_808 = arith.cmpi slt, %add3A_807, %lt3A : i32
      %convert_element_type3A = arith.extui %lt3A_808 : i1 to i32
      %cond3A = arith.constant 0 : i32
      %cond3A_809 = arith.cmpi ne, %convert_element_type3A, %cond3A : i32
      scf.if %cond3A_809 {
        %add3A_1055 = arith.constant 1 : i32
        %add3A_1056 = arith.addi %scan3A_240, %add3A_1055 : i32
        %mul3A_1057 = arith.constant 16 : i32
        %mul3A_1058 = arith.muli %add3A_1056, %mul3A_1057 : i32
        %get3A_1059 = arith.index_cast %mul3A_1058 : i32 to index
        %get3A_1060 = tpu.vector_load %arg5[%get3A_1059] {strides = array<i32>} : memref<512xi32, #tpu.memory_space<vmem>>, vector<16xi32>,
        %eq3A_1061 = arith.constant 0 : i32
        %eq3A_1062 = vector.broadcast %eq3A_1061 : i32 to vector<16xi32>
        %eq3A_1063 = arith.cmpi eq, %iota3A, %eq3A_1062 : vector<16xi32>
        %jit3A_1064 = arith.constant 0 : i32
        %broadcast_in_dim3A_1065 = vector.broadcast %jit3A_1064 : i32 to vector<16xi32>
        %select_n3A_1066 = arith.select %eq3A_1063, %get3A_1060, %broadcast_in_dim3A_1065 : vector<16xi1>, vector<16xi32>
        %reduce_sum3A_1067 = arith.constant true
        %reduce_sum3A_1068 = vector.broadcast %reduce_sum3A_1067 : i1 to vector<16xi1>
        %reduce_sum3A_1069 = tpu.scan <sum>, %select_n3A_1066 masked %reduce_sum3A_1068 : vector<16xi32>, vector<16xi1> -> vector<16xi32>
        %reduce_sum3A_1070 = vector.extract %reduce_sum3A_1069[15] : i32 from vector<16xi32>
        %eq3A_1071 = arith.constant 1 : i32
        %eq3A_1072 = vector.broadcast %eq3A_1071 : i32 to vector<16xi32>
        %eq3A_1073 = arith.cmpi eq, %iota3A, %eq3A_1072 : vector<16xi32>
        %jit3A_1074 = arith.constant 0 : i32
        %broadcast_in_dim3A_1075 = vector.broadcast %jit3A_1074 : i32 to vector<16xi32>
        %select_n3A_1076 = arith.select %eq3A_1073, %get3A_1060, %broadcast_in_dim3A_1075 : vector<16xi1>, vector<16xi32>
        %reduce_sum3A_1077 = arith.constant true
        %reduce_sum3A_1078 = vector.broadcast %reduce_sum3A_1077 : i1 to vector<16xi1>
        %reduce_sum3A_1079 = tpu.scan <sum>, %select_n3A_1076 masked %reduce_sum3A_1078 : vector<16xi32>, vector<16xi1> -> vector<16xi32>
        %reduce_sum3A_1080 = vector.extract %reduce_sum3A_1079[15] : i32 from vector<16xi32>
        %eq3A_1081 = arith.constant 2 : i32
        %eq3A_1082 = vector.broadcast %eq3A_1081 : i32 to vector<16xi32>
        %eq3A_1083 = arith.cmpi eq, %iota3A, %eq3A_1082 : vector<16xi32>
        %jit3A_1084 = arith.constant 0 : i32
        %broadcast_in_dim3A_1085 = vector.broadcast %jit3A_1084 : i32 to vector<16xi32>
        %select_n3A_1086 = arith.select %eq3A_1083, %get3A_1060, %broadcast_in_dim3A_1085 : vector<16xi1>, vector<16xi32>
        %reduce_sum3A_1087 = arith.constant true
        %reduce_sum3A_1088 = vector.broadcast %reduce_sum3A_1087 : i1 to vector<16xi1>
        %reduce_sum3A_1089 = tpu.scan <sum>, %select_n3A_1086 masked %reduce_sum3A_1088 : vector<16xi32>, vector<16xi1> -> vector<16xi32>
        %reduce_sum3A_1090 = vector.extract %reduce_sum3A_1089[15] : i32 from vector<16xi32>
        %eq3A_1091 = arith.constant 3 : i32
        %eq3A_1092 = vector.broadcast %eq3A_1091 : i32 to vector<16xi32>
        %eq3A_1093 = arith.cmpi eq, %iota3A, %eq3A_1092 : vector<16xi32>
        %jit3A_1094 = arith.constant 0 : i32
        %broadcast_in_dim3A_1095 = vector.broadcast %jit3A_1094 : i32 to vector<16xi32>
        %select_n3A_1096 = arith.select %eq3A_1093, %get3A_1060, %broadcast_in_dim3A_1095 : vector<16xi1>, vector<16xi32>
        %reduce_sum3A_1097 = arith.constant true
        %reduce_sum3A_1098 = vector.broadcast %reduce_sum3A_1097 : i1 to vector<16xi1>
        %reduce_sum3A_1099 = tpu.scan <sum>, %select_n3A_1096 masked %reduce_sum3A_1098 : vector<16xi32>, vector<16xi1> -> vector<16xi32>
        %reduce_sum3A_1100 = vector.extract %reduce_sum3A_1099[15] : i32 from vector<16xi32>
        %eq3A_1101 = arith.constant 4 : i32
        %eq3A_1102 = vector.broadcast %eq3A_1101 : i32 to vector<16xi32>
        %eq3A_1103 = arith.cmpi eq, %iota3A, %eq3A_1102 : vector<16xi32>
        %jit3A_1104 = arith.constant 0 : i32
        %broadcast_in_dim3A_1105 = vector.broadcast %jit3A_1104 : i32 to vector<16xi32>
        %select_n3A_1106 = arith.select %eq3A_1103, %get3A_1060, %broadcast_in_dim3A_1105 : vector<16xi1>, vector<16xi32>
        %reduce_sum3A_1107 = arith.constant true
        %reduce_sum3A_1108 = vector.broadcast %reduce_sum3A_1107 : i1 to vector<16xi1>
        %reduce_sum3A_1109 = tpu.scan <sum>, %select_n3A_1106 masked %reduce_sum3A_1108 : vector<16xi32>, vector<16xi1> -> vector<16xi32>
        %reduce_sum3A_1110 = vector.extract %reduce_sum3A_1109[15] : i32 from vector<16xi32>
        %eq3A_1111 = arith.constant 5 : i32
        %eq3A_1112 = vector.broadcast %eq3A_1111 : i32 to vector<16xi32>
        %eq3A_1113 = arith.cmpi eq, %iota3A, %eq3A_1112 : vector<16xi32>
        %jit3A_1114 = arith.constant 0 : i32
        %broadcast_in_dim3A_1115 = vector.broadcast %jit3A_1114 : i32 to vector<16xi32>
        %select_n3A_1116 = arith.select %eq3A_1113, %get3A_1060, %broadcast_in_dim3A_1115 : vector<16xi1>, vector<16xi32>
        %reduce_sum3A_1117 = arith.constant true
        %reduce_sum3A_1118 = vector.broadcast %reduce_sum3A_1117 : i1 to vector<16xi1>
        %reduce_sum3A_1119 = tpu.scan <sum>, %select_n3A_1116 masked %reduce_sum3A_1118 : vector<16xi32>, vector<16xi1> -> vector<16xi32>
        %reduce_sum3A_1120 = vector.extract %reduce_sum3A_1119[15] : i32 from vector<16xi32>
        %eq3A_1121 = arith.constant 6 : i32
        %eq3A_1122 = vector.broadcast %eq3A_1121 : i32 to vector<16xi32>
        %eq3A_1123 = arith.cmpi eq, %iota3A, %eq3A_1122 : vector<16xi32>
        %jit3A_1124 = arith.constant 0 : i32
        %broadcast_in_dim3A_1125 = vector.broadcast %jit3A_1124 : i32 to vector<16xi32>
        %select_n3A_1126 = arith.select %eq3A_1123, %get3A_1060, %broadcast_in_dim3A_1125 : vector<16xi1>, vector<16xi32>
        %reduce_sum3A_1127 = arith.constant true
        %reduce_sum3A_1128 = vector.broadcast %reduce_sum3A_1127 : i1 to vector<16xi1>
        %reduce_sum3A_1129 = tpu.scan <sum>, %select_n3A_1126 masked %reduce_sum3A_1128 : vector<16xi32>, vector<16xi1> -> vector<16xi32>
        %reduce_sum3A_1130 = vector.extract %reduce_sum3A_1129[15] : i32 from vector<16xi32>
        %eq3A_1131 = arith.constant 7 : i32
        %eq3A_1132 = vector.broadcast %eq3A_1131 : i32 to vector<16xi32>
        %eq3A_1133 = arith.cmpi eq, %iota3A, %eq3A_1132 : vector<16xi32>
        %jit3A_1134 = arith.constant 0 : i32
        %broadcast_in_dim3A_1135 = vector.broadcast %jit3A_1134 : i32 to vector<16xi32>
        %select_n3A_1136 = arith.select %eq3A_1133, %get3A_1060, %broadcast_in_dim3A_1135 : vector<16xi1>, vector<16xi32>
        %reduce_sum3A_1137 = arith.constant true
        %reduce_sum3A_1138 = vector.broadcast %reduce_sum3A_1137 : i1 to vector<16xi1>
        %reduce_sum3A_1139 = tpu.scan <sum>, %select_n3A_1136 masked %reduce_sum3A_1138 : vector<16xi32>, vector<16xi1> -> vector<16xi32>
        %reduce_sum3A_1140 = vector.extract %reduce_sum3A_1139[15] : i32 from vector<16xi32>
        %and3A_1141 = arith.constant 127 : i32
        %and3A_1142 = arith.andi %reduce_sum3A_1070, %and3A_1141 : i32
        %sub3A_1143 = arith.subi %reduce_sum3A_1070, %and3A_1142 : i32
        %mul3A_1144 = arith.constant 1 : i32
        %mul3A_1145 = arith.muli %sub3A_1143, %mul3A_1144 : i32
        %multiple_of3A_1146 = tpu.assume_multiple %mul3A_1145, 128 : i32
        %dma_start3A_1147 = arith.constant 0 : i32
        %dma_start3A_1148 = arith.constant 0 : i32
        %dma_start3A_1149 = arith.constant 0 : i32
        %dma_start3A_1150 = arith.constant 0 : i32
        %dma_start3A_1151 = tpu.memref_slice %arg6[%dma_start3A_1147, %dma_start3A_1148, %dma_start3A_1149, %dma_start3A_1150] : memref<2x8x32x128xf32, #tpu.memory_space<vmem>> -> memref<1x1x32x128xf32, #tpu.memory_space<vmem>>
        %dma_start3A_1152 = tpu.memref_squeeze %dma_start3A_1151 : memref<1x1x32x128xf32, #tpu.memory_space<vmem>> -> memref<32x128xf32, #tpu.memory_space<vmem>>
        %dma_start3A_1153 = arith.constant 0 : i32
        %dma_start3A_1154 = tpu.memref_slice %arg2[%dma_start3A_1153, %multiple_of3A_1146] : memref<32x1000000xf32, #tpu.memory_space<hbm>> -> memref<32x128xf32, #tpu.memory_space<hbm>>
        %dma_start3A_1155 = arith.constant 0 : i32
        %dma_start3A_1156 = arith.constant 0 : i32
        %dma_start3A_1157 = tpu.memref_slice %arg6[%dma_start3A_1147, %dma_start3A_1148, %dma_start3A_1155, %dma_start3A_1156] : memref<2x8x32x128xf32, #tpu.memory_space<vmem>> -> memref<1x1x32x128xf32, #tpu.memory_space<vmem>>
        %dma_start3A_1158 = tpu.memref_squeeze %dma_start3A_1157 : memref<1x1x32x128xf32, #tpu.memory_space<vmem>> -> memref<32x128xf32, #tpu.memory_space<vmem>>
        %dma_start3A_1159 = arith.constant 0 : i32
        %dma_start3A_1160 = tpu.memref_slice %arg2[%dma_start3A_1159, %multiple_of3A_1146] : memref<32x1000000xf32, #tpu.memory_space<hbm>> -> memref<32x128xf32, #tpu.memory_space<hbm>>
        tpu.enqueue_dma source(%dma_start3A_1160 : memref<32x128xf32, #tpu.memory_space<hbm>>) target(%dma_start3A_1158 : memref<32x128xf32, #tpu.memory_space<vmem>>) target_semaphore(%arg8 : memref<!tpu.dma_semaphore, #tpu.memory_space<semaphore_mem>>)
        %and3A_1161 = arith.constant 127 : i32
        %and3A_1162 = arith.andi %reduce_sum3A_1080, %and3A_1161 : i32
        %sub3A_1163 = arith.subi %reduce_sum3A_1080, %and3A_1162 : i32
        %mul3A_1164 = arith.constant 1 : i32
        %mul3A_1165 = arith.muli %sub3A_1163, %mul3A_1164 : i32
        %multiple_of3A_1166 = tpu.assume_multiple %mul3A_1165, 128 : i32
        %dma_start3A_1167 = arith.constant 0 : i32
        %dma_start3A_1168 = arith.constant 1 : i32
        %dma_start3A_1169 = arith.constant 0 : i32
        %dma_start3A_1170 = arith.constant 0 : i32
        %dma_start3A_1171 = tpu.memref_slice %arg6[%dma_start3A_1167, %dma_start3A_1168, %dma_start3A_1169, %dma_start3A_1170] : memref<2x8x32x128xf32, #tpu.memory_space<vmem>> -> memref<1x1x32x128xf32, #tpu.memory_space<vmem>>
        %dma_start3A_1172 = tpu.memref_squeeze %dma_start3A_1171 : memref<1x1x32x128xf32, #tpu.memory_space<vmem>> -> memref<32x128xf32, #tpu.memory_space<vmem>>
        %dma_start3A_1173 = arith.constant 0 : i32
        %dma_start3A_1174 = tpu.memref_slice %arg2[%dma_start3A_1173, %multiple_of3A_1166] : memref<32x1000000xf32, #tpu.memory_space<hbm>> -> memref<32x128xf32, #tpu.memory_space<hbm>>
        %dma_start3A_1175 = arith.constant 0 : i32
        %dma_start3A_1176 = arith.constant 0 : i32
        %dma_start3A_1177 = tpu.memref_slice %arg6[%dma_start3A_1167, %dma_start3A_1168, %dma_start3A_1175, %dma_start3A_1176] : memref<2x8x32x128xf32, #tpu.memory_space<vmem>> -> memref<1x1x32x128xf32, #tpu.memory_space<vmem>>
        %dma_start3A_1178 = tpu.memref_squeeze %dma_start3A_1177 : memref<1x1x32x128xf32, #tpu.memory_space<vmem>> -> memref<32x128xf32, #tpu.memory_space<vmem>>
        %dma_start3A_1179 = arith.constant 0 : i32
        %dma_start3A_1180 = tpu.memref_slice %arg2[%dma_start3A_1179, %multiple_of3A_1166] : memref<32x1000000xf32, #tpu.memory_space<hbm>> -> memref<32x128xf32, #tpu.memory_space<hbm>>
        tpu.enqueue_dma source(%dma_start3A_1180 : memref<32x128xf32, #tpu.memory_space<hbm>>) target(%dma_start3A_1178 : memref<32x128xf32, #tpu.memory_space<vmem>>) target_semaphore(%arg8 : memref<!tpu.dma_semaphore, #tpu.memory_space<semaphore_mem>>)
        %and3A_1181 = arith.constant 127 : i32
        %and3A_1182 = arith.andi %reduce_sum3A_1090, %and3A_1181 : i32
        %sub3A_1183 = arith.subi %reduce_sum3A_1090, %and3A_1182 : i32
        %mul3A_1184 = arith.constant 1 : i32
        %mul3A_1185 = arith.muli %sub3A_1183, %mul3A_1184 : i32
        %multiple_of3A_1186 = tpu.assume_multiple %mul3A_1185, 128 : i32
        %dma_start3A_1187 = arith.constant 0 : i32
        %dma_start3A_1188 = arith.constant 2 : i32
        %dma_start3A_1189 = arith.constant 0 : i32
        %dma_start3A_1190 = arith.constant 0 : i32
        %dma_start3A_1191 = tpu.memref_slice %arg6[%dma_start3A_1187, %dma_start3A_1188, %dma_start3A_1189, %dma_start3A_1190] : memref<2x8x32x128xf32, #tpu.memory_space<vmem>> -> memref<1x1x32x128xf32, #tpu.memory_space<vmem>>
        %dma_start3A_1192 = tpu.memref_squeeze %dma_start3A_1191 : memref<1x1x32x128xf32, #tpu.memory_space<vmem>> -> memref<32x128xf32, #tpu.memory_space<vmem>>
        %dma_start3A_1193 = arith.constant 0 : i32
        %dma_start3A_1194 = tpu.memref_slice %arg2[%dma_start3A_1193, %multiple_of3A_1186] : memref<32x1000000xf32, #tpu.memory_space<hbm>> -> memref<32x128xf32, #tpu.memory_space<hbm>>
        %dma_start3A_1195 = arith.constant 0 : i32
        %dma_start3A_1196 = arith.constant 0 : i32
        %dma_start3A_1197 = tpu.memref_slice %arg6[%dma_start3A_1187, %dma_start3A_1188, %dma_start3A_1195, %dma_start3A_1196] : memref<2x8x32x128xf32, #tpu.memory_space<vmem>> -> memref<1x1x32x128xf32, #tpu.memory_space<vmem>>
        %dma_start3A_1198 = tpu.memref_squeeze %dma_start3A_1197 : memref<1x1x32x128xf32, #tpu.memory_space<vmem>> -> memref<32x128xf32, #tpu.memory_space<vmem>>
        %dma_start3A_1199 = arith.constant 0 : i32
        %dma_start3A_1200 = tpu.memref_slice %arg2[%dma_start3A_1199, %multiple_of3A_1186] : memref<32x1000000xf32, #tpu.memory_space<hbm>> -> memref<32x128xf32, #tpu.memory_space<hbm>>
        tpu.enqueue_dma source(%dma_start3A_1200 : memref<32x128xf32, #tpu.memory_space<hbm>>) target(%dma_start3A_1198 : memref<32x128xf32, #tpu.memory_space<vmem>>) target_semaphore(%arg8 : memref<!tpu.dma_semaphore, #tpu.memory_space<semaphore_mem>>)
        %and3A_1201 = arith.constant 127 : i32
        %and3A_1202 = arith.andi %reduce_sum3A_1100, %and3A_1201 : i32
        %sub3A_1203 = arith.subi %reduce_sum3A_1100, %and3A_1202 : i32
        %mul3A_1204 = arith.constant 1 : i32
        %mul3A_1205 = arith.muli %sub3A_1203, %mul3A_1204 : i32
        %multiple_of3A_1206 = tpu.assume_multiple %mul3A_1205, 128 : i32
        %dma_start3A_1207 = arith.constant 0 : i32
        %dma_start3A_1208 = arith.constant 3 : i32
        %dma_start3A_1209 = arith.constant 0 : i32
        %dma_start3A_1210 = arith.constant 0 : i32
        %dma_start3A_1211 = tpu.memref_slice %arg6[%dma_start3A_1207, %dma_start3A_1208, %dma_start3A_1209, %dma_start3A_1210] : memref<2x8x32x128xf32, #tpu.memory_space<vmem>> -> memref<1x1x32x128xf32, #tpu.memory_space<vmem>>
        %dma_start3A_1212 = tpu.memref_squeeze %dma_start3A_1211 : memref<1x1x32x128xf32, #tpu.memory_space<vmem>> -> memref<32x128xf32, #tpu.memory_space<vmem>>
        %dma_start3A_1213 = arith.constant 0 : i32
        %dma_start3A_1214 = tpu.memref_slice %arg2[%dma_start3A_1213, %multiple_of3A_1206] : memref<32x1000000xf32, #tpu.memory_space<hbm>> -> memref<32x128xf32, #tpu.memory_space<hbm>>
        %dma_start3A_1215 = arith.constant 0 : i32
        %dma_start3A_1216 = arith.constant 0 : i32
        %dma_start3A_1217 = tpu.memref_slice %arg6[%dma_start3A_1207, %dma_start3A_1208, %dma_start3A_1215, %dma_start3A_1216] : memref<2x8x32x128xf32, #tpu.memory_space<vmem>> -> memref<1x1x32x128xf32, #tpu.memory_space<vmem>>
        %dma_start3A_1218 = tpu.memref_squeeze %dma_start3A_1217 : memref<1x1x32x128xf32, #tpu.memory_space<vmem>> -> memref<32x128xf32, #tpu.memory_space<vmem>>
        %dma_start3A_1219 = arith.constant 0 : i32
        %dma_start3A_1220 = tpu.memref_slice %arg2[%dma_start3A_1219, %multiple_of3A_1206] : memref<32x1000000xf32, #tpu.memory_space<hbm>> -> memref<32x128xf32, #tpu.memory_space<hbm>>
        tpu.enqueue_dma source(%dma_start3A_1220 : memref<32x128xf32, #tpu.memory_space<hbm>>) target(%dma_start3A_1218 : memref<32x128xf32, #tpu.memory_space<vmem>>) target_semaphore(%arg8 : memref<!tpu.dma_semaphore, #tpu.memory_space<semaphore_mem>>)
        %and3A_1221 = arith.constant 127 : i32
        %and3A_1222 = arith.andi %reduce_sum3A_1110, %and3A_1221 : i32
        %sub3A_1223 = arith.subi %reduce_sum3A_1110, %and3A_1222 : i32
        %mul3A_1224 = arith.constant 1 : i32
        %mul3A_1225 = arith.muli %sub3A_1223, %mul3A_1224 : i32
        %multiple_of3A_1226 = tpu.assume_multiple %mul3A_1225, 128 : i32
        %dma_start3A_1227 = arith.constant 0 : i32
        %dma_start3A_1228 = arith.constant 4 : i32
        %dma_start3A_1229 = arith.constant 0 : i32
        %dma_start3A_1230 = arith.constant 0 : i32
        %dma_start3A_1231 = tpu.memref_slice %arg6[%dma_start3A_1227, %dma_start3A_1228, %dma_start3A_1229, %dma_start3A_1230] : memref<2x8x32x128xf32, #tpu.memory_space<vmem>> -> memref<1x1x32x128xf32, #tpu.memory_space<vmem>>
        %dma_start3A_1232 = tpu.memref_squeeze %dma_start3A_1231 : memref<1x1x32x128xf32, #tpu.memory_space<vmem>> -> memref<32x128xf32, #tpu.memory_space<vmem>>
        %dma_start3A_1233 = arith.constant 0 : i32
        %dma_start3A_1234 = tpu.memref_slice %arg2[%dma_start3A_1233, %multiple_of3A_1226] : memref<32x1000000xf32, #tpu.memory_space<hbm>> -> memref<32x128xf32, #tpu.memory_space<hbm>>
        %dma_start3A_1235 = arith.constant 0 : i32
        %dma_start3A_1236 = arith.constant 0 : i32
        %dma_start3A_1237 = tpu.memref_slice %arg6[%dma_start3A_1227, %dma_start3A_1228, %dma_start3A_1235, %dma_start3A_1236] : memref<2x8x32x128xf32, #tpu.memory_space<vmem>> -> memref<1x1x32x128xf32, #tpu.memory_space<vmem>>
        %dma_start3A_1238 = tpu.memref_squeeze %dma_start3A_1237 : memref<1x1x32x128xf32, #tpu.memory_space<vmem>> -> memref<32x128xf32, #tpu.memory_space<vmem>>
        %dma_start3A_1239 = arith.constant 0 : i32
        %dma_start3A_1240 = tpu.memref_slice %arg2[%dma_start3A_1239, %multiple_of3A_1226] : memref<32x1000000xf32, #tpu.memory_space<hbm>> -> memref<32x128xf32, #tpu.memory_space<hbm>>
        tpu.enqueue_dma source(%dma_start3A_1240 : memref<32x128xf32, #tpu.memory_space<hbm>>) target(%dma_start3A_1238 : memref<32x128xf32, #tpu.memory_space<vmem>>) target_semaphore(%arg8 : memref<!tpu.dma_semaphore, #tpu.memory_space<semaphore_mem>>)
        %and3A_1241 = arith.constant 127 : i32
        %and3A_1242 = arith.andi %reduce_sum3A_1120, %and3A_1241 : i32
        %sub3A_1243 = arith.subi %reduce_sum3A_1120, %and3A_1242 : i32
        %mul3A_1244 = arith.constant 1 : i32
        %mul3A_1245 = arith.muli %sub3A_1243, %mul3A_1244 : i32
        %multiple_of3A_1246 = tpu.assume_multiple %mul3A_1245, 128 : i32
        %dma_start3A_1247 = arith.constant 0 : i32
        %dma_start3A_1248 = arith.constant 5 : i32
        %dma_start3A_1249 = arith.constant 0 : i32
        %dma_start3A_1250 = arith.constant 0 : i32
        %dma_start3A_1251 = tpu.memref_slice %arg6[%dma_start3A_1247, %dma_start3A_1248, %dma_start3A_1249, %dma_start3A_1250] : memref<2x8x32x128xf32, #tpu.memory_space<vmem>> -> memref<1x1x32x128xf32, #tpu.memory_space<vmem>>
        %dma_start3A_1252 = tpu.memref_squeeze %dma_start3A_1251 : memref<1x1x32x128xf32, #tpu.memory_space<vmem>> -> memref<32x128xf32, #tpu.memory_space<vmem>>
        %dma_start3A_1253 = arith.constant 0 : i32
        %dma_start3A_1254 = tpu.memref_slice %arg2[%dma_start3A_1253, %multiple_of3A_1246] : memref<32x1000000xf32, #tpu.memory_space<hbm>> -> memref<32x128xf32, #tpu.memory_space<hbm>>
        %dma_start3A_1255 = arith.constant 0 : i32
        %dma_start3A_1256 = arith.constant 0 : i32
        %dma_start3A_1257 = tpu.memref_slice %arg6[%dma_start3A_1247, %dma_start3A_1248, %dma_start3A_1255, %dma_start3A_1256] : memref<2x8x32x128xf32, #tpu.memory_space<vmem>> -> memref<1x1x32x128xf32, #tpu.memory_space<vmem>>
        %dma_start3A_1258 = tpu.memref_squeeze %dma_start3A_1257 : memref<1x1x32x128xf32, #tpu.memory_space<vmem>> -> memref<32x128xf32, #tpu.memory_space<vmem>>
        %dma_start3A_1259 = arith.constant 0 : i32
        %dma_start3A_1260 = tpu.memref_slice %arg2[%dma_start3A_1259, %multiple_of3A_1246] : memref<32x1000000xf32, #tpu.memory_space<hbm>> -> memref<32x128xf32, #tpu.memory_space<hbm>>
        tpu.enqueue_dma source(%dma_start3A_1260 : memref<32x128xf32, #tpu.memory_space<hbm>>) target(%dma_start3A_1258 : memref<32x128xf32, #tpu.memory_space<vmem>>) target_semaphore(%arg8 : memref<!tpu.dma_semaphore, #tpu.memory_space<semaphore_mem>>)
        %and3A_1261 = arith.constant 127 : i32
        %and3A_1262 = arith.andi %reduce_sum3A_1130, %and3A_1261 : i32
        %sub3A_1263 = arith.subi %reduce_sum3A_1130, %and3A_1262 : i32
        %mul3A_1264 = arith.constant 1 : i32
        %mul3A_1265 = arith.muli %sub3A_1263, %mul3A_1264 : i32
        %multiple_of3A_1266 = tpu.assume_multiple %mul3A_1265, 128 : i32
        %dma_start3A_1267 = arith.constant 0 : i32
        %dma_start3A_1268 = arith.constant 6 : i32
        %dma_start3A_1269 = arith.constant 0 : i32
        %dma_start3A_1270 = arith.constant 0 : i32
        %dma_start3A_1271 = tpu.memref_slice %arg6[%dma_start3A_1267, %dma_start3A_1268, %dma_start3A_1269, %dma_start3A_1270] : memref<2x8x32x128xf32, #tpu.memory_space<vmem>> -> memref<1x1x32x128xf32, #tpu.memory_space<vmem>>
        %dma_start3A_1272 = tpu.memref_squeeze %dma_start3A_1271 : memref<1x1x32x128xf32, #tpu.memory_space<vmem>> -> memref<32x128xf32, #tpu.memory_space<vmem>>
        %dma_start3A_1273 = arith.constant 0 : i32
        %dma_start3A_1274 = tpu.memref_slice %arg2[%dma_start3A_1273, %multiple_of3A_1266] : memref<32x1000000xf32, #tpu.memory_space<hbm>> -> memref<32x128xf32, #tpu.memory_space<hbm>>
        %dma_start3A_1275 = arith.constant 0 : i32
        %dma_start3A_1276 = arith.constant 0 : i32
        %dma_start3A_1277 = tpu.memref_slice %arg6[%dma_start3A_1267, %dma_start3A_1268, %dma_start3A_1275, %dma_start3A_1276] : memref<2x8x32x128xf32, #tpu.memory_space<vmem>> -> memref<1x1x32x128xf32, #tpu.memory_space<vmem>>
        %dma_start3A_1278 = tpu.memref_squeeze %dma_start3A_1277 : memref<1x1x32x128xf32, #tpu.memory_space<vmem>> -> memref<32x128xf32, #tpu.memory_space<vmem>>
        %dma_start3A_1279 = arith.constant 0 : i32
        %dma_start3A_1280 = tpu.memref_slice %arg2[%dma_start3A_1279, %multiple_of3A_1266] : memref<32x1000000xf32, #tpu.memory_space<hbm>> -> memref<32x128xf32, #tpu.memory_space<hbm>>
        tpu.enqueue_dma source(%dma_start3A_1280 : memref<32x128xf32, #tpu.memory_space<hbm>>) target(%dma_start3A_1278 : memref<32x128xf32, #tpu.memory_space<vmem>>) target_semaphore(%arg8 : memref<!tpu.dma_semaphore, #tpu.memory_space<semaphore_mem>>)
        %and3A_1281 = arith.constant 127 : i32
        %and3A_1282 = arith.andi %reduce_sum3A_1140, %and3A_1281 : i32
        %sub3A_1283 = arith.subi %reduce_sum3A_1140, %and3A_1282 : i32
        %mul3A_1284 = arith.constant 1 : i32
        %mul3A_1285 = arith.muli %sub3A_1283, %mul3A_1284 : i32
        %multiple_of3A_1286 = tpu.assume_multiple %mul3A_1285, 128 : i32
        %dma_start3A_1287 = arith.constant 0 : i32
        %dma_start3A_1288 = arith.constant 7 : i32
        %dma_start3A_1289 = arith.constant 0 : i32
        %dma_start3A_1290 = arith.constant 0 : i32
        %dma_start3A_1291 = tpu.memref_slice %arg6[%dma_start3A_1287, %dma_start3A_1288, %dma_start3A_1289, %dma_start3A_1290] : memref<2x8x32x128xf32, #tpu.memory_space<vmem>> -> memref<1x1x32x128xf32, #tpu.memory_space<vmem>>
        %dma_start3A_1292 = tpu.memref_squeeze %dma_start3A_1291 : memref<1x1x32x128xf32, #tpu.memory_space<vmem>> -> memref<32x128xf32, #tpu.memory_space<vmem>>
        %dma_start3A_1293 = arith.constant 0 : i32
        %dma_start3A_1294 = tpu.memref_slice %arg2[%dma_start3A_1293, %multiple_of3A_1286] : memref<32x1000000xf32, #tpu.memory_space<hbm>> -> memref<32x128xf32, #tpu.memory_space<hbm>>
        %dma_start3A_1295 = arith.constant 0 : i32
        %dma_start3A_1296 = arith.constant 0 : i32
        %dma_start3A_1297 = tpu.memref_slice %arg6[%dma_start3A_1287, %dma_start3A_1288, %dma_start3A_1295, %dma_start3A_1296] : memref<2x8x32x128xf32, #tpu.memory_space<vmem>> -> memref<1x1x32x128xf32, #tpu.memory_space<vmem>>
        %dma_start3A_1298 = tpu.memref_squeeze %dma_start3A_1297 : memref<1x1x32x128xf32, #tpu.memory_space<vmem>> -> memref<32x128xf32, #tpu.memory_space<vmem>>
        %dma_start3A_1299 = arith.constant 0 : i32
        %dma_start3A_1300 = tpu.memref_slice %arg2[%dma_start3A_1299, %multiple_of3A_1286] : memref<32x1000000xf32, #tpu.memory_space<hbm>> -> memref<32x128xf32, #tpu.memory_space<hbm>>
        tpu.enqueue_dma source(%dma_start3A_1300 : memref<32x128xf32, #tpu.memory_space<hbm>>) target(%dma_start3A_1298 : memref<32x128xf32, #tpu.memory_space<vmem>>) target_semaphore(%arg8 : memref<!tpu.dma_semaphore, #tpu.memory_space<semaphore_mem>>)
      } else {
      }
      %dma_wait3A_810 = arith.constant 1 : i32
      %dma_wait3A_811 = arith.constant 0 : i32
      %dma_wait3A_812 = arith.constant 0 : i32
      %dma_wait3A_813 = arith.constant 0 : i32
      %dma_wait3A_814 = tpu.memref_slice %arg6[%dma_wait3A_810, %dma_wait3A_811, %dma_wait3A_812, %dma_wait3A_813] : memref<2x8x32x128xf32, #tpu.memory_space<vmem>> -> memref<1x8x32x128xf32, #tpu.memory_space<vmem>>
      %dma_wait3A_815 = tpu.memref_squeeze %dma_wait3A_814 : memref<1x8x32x128xf32, #tpu.memory_space<vmem>> -> memref<8x32x128xf32, #tpu.memory_space<vmem>>
      %dma_wait3A_816 = arith.constant 0 : i32
      %dma_wait3A_817 = arith.constant 0 : i32
      %dma_wait3A_818 = tpu.memref_slice %arg2[%dma_wait3A_816, %dma_wait3A_817] : memref<32x1000000xf32, #tpu.memory_space<hbm>> -> memref<32x1024xf32, #tpu.memory_space<hbm>>
      %dma_wait3A_819 = arith.constant 0 : i32
      %dma_wait3A_820 = arith.constant 0 : i32
      %dma_wait3A_821 = arith.constant 0 : i32
      %dma_wait3A_822 = tpu.memref_slice %arg6[%dma_wait3A_810, %dma_wait3A_819, %dma_wait3A_820, %dma_wait3A_821] : memref<2x8x32x128xf32, #tpu.memory_space<vmem>> -> memref<1x8x32x128xf32, #tpu.memory_space<vmem>>
      %dma_wait3A_823 = tpu.memref_squeeze %dma_wait3A_822 : memref<1x8x32x128xf32, #tpu.memory_space<vmem>> -> memref<8x32x128xf32, #tpu.memory_space<vmem>>
      %dma_wait3A_824 = arith.constant 0 : i32
      %dma_wait3A_825 = arith.constant 0 : i32
      %dma_wait3A_826 = tpu.memref_slice %arg2[%dma_wait3A_824, %dma_wait3A_825] : memref<32x1000000xf32, #tpu.memory_space<hbm>> -> memref<32x1024xf32, #tpu.memory_space<hbm>>
      tpu.wait_dma2 semaphore(%arg9 : memref<!tpu.dma_semaphore, #tpu.memory_space<semaphore_mem>>) src(%dma_wait3A_826 : memref<32x1024xf32, #tpu.memory_space<hbm>>) dst(%dma_wait3A_823 : memref<8x32x128xf32, #tpu.memory_space<vmem>>)
      %mul3A_827 = arith.constant 2 : i32
      %mul3A_828 = arith.muli %mul3A_827, %scan3A_240 : i32
      %add3A_829 = arith.constant 1 : i32
      %add3A_830 = arith.addi %mul3A_828, %add3A_829 : i32
      %mul3A_831 = arith.constant 8 : i32
      %mul3A_832 = arith.muli %add3A_830, %mul3A_831 : i32
      %add3A_833 = arith.constant 0 : i32
      %add3A_834 = arith.addi %mul3A_832, %add3A_833 : i32
      %and3A_835 = arith.constant 127 : i32
      %and3A_836 = arith.andi %reduce_sum3A_334, %and3A_835 : i32
      %broadcast_in_dim3A_837 = vector.broadcast %and3A_836 : i32 to vector<16xi32>
      %broadcast_in_dim3A_838 = vector.broadcast %add3A_834 : i32 to vector<16xi32>
      %add3A_839 = arith.constant 0 : i32
      %add3A_840 = vector.broadcast %add3A_839 : i32 to vector<16xi32>
      %add3A_841 = arith.addi %iota3A, %add3A_840 : vector<16xi32>
      %gather3A_842 = arith.constant 1 : i32
      %gather3A_843 = arith.constant 0 : i32
      %gather3A_844 = arith.constant 0 : i32
      %gather3A_845 = arith.constant 0 : i32
      %gather3A_846 = tpu.memref_slice %arg6[%gather3A_842, %gather3A_843, %gather3A_844, %gather3A_845] : memref<2x8x32x128xf32, #tpu.memory_space<vmem>> -> memref<1x1x32x128xf32, #tpu.memory_space<vmem>>
      %gather3A_847 = tpu.memref_squeeze %gather3A_846 : memref<1x1x32x128xf32, #tpu.memory_space<vmem>> -> memref<32x128xf32, #tpu.memory_space<vmem>>
      %gather3A_848 = tpu.vector_load_idx %gather3A_847[%add3A_841, %broadcast_in_dim3A_837] : memref<32x128xf32, #tpu.memory_space<vmem>>[vector<16xi32>, vector<16xi32>], vector<16xf32>,
      tpu.vector_store_idx %arg7[%add3A_841, %broadcast_in_dim3A_838], %gather3A_848 : memref<32x512xf32, #tpu.memory_space<vmem>>[vector<16xi32>, vector<16xi32>], vector<16xf32>,
      %add3A_849 = arith.constant 16 : i32
      %add3A_850 = vector.broadcast %add3A_849 : i32 to vector<16xi32>
      %add3A_851 = arith.addi %iota3A, %add3A_850 : vector<16xi32>
      %gather3A_852 = arith.constant 1 : i32
      %gather3A_853 = arith.constant 0 : i32
      %gather3A_854 = arith.constant 0 : i32
      %gather3A_855 = arith.constant 0 : i32
      %gather3A_856 = tpu.memref_slice %arg6[%gather3A_852, %gather3A_853, %gather3A_854, %gather3A_855] : memref<2x8x32x128xf32, #tpu.memory_space<vmem>> -> memref<1x1x32x128xf32, #tpu.memory_space<vmem>>
      %gather3A_857 = tpu.memref_squeeze %gather3A_856 : memref<1x1x32x128xf32, #tpu.memory_space<vmem>> -> memref<32x128xf32, #tpu.memory_space<vmem>>
      %gather3A_858 = tpu.vector_load_idx %gather3A_857[%add3A_851, %broadcast_in_dim3A_837] : memref<32x128xf32, #tpu.memory_space<vmem>>[vector<16xi32>, vector<16xi32>], vector<16xf32>,
      tpu.vector_store_idx %arg7[%add3A_851, %broadcast_in_dim3A_838], %gather3A_858 : memref<32x512xf32, #tpu.memory_space<vmem>>[vector<16xi32>, vector<16xi32>], vector<16xf32>,
      %mul3A_859 = arith.constant 8 : i32
      %mul3A_860 = arith.muli %add3A_830, %mul3A_859 : i32
      %add3A_861 = arith.constant 1 : i32
      %add3A_862 = arith.addi %mul3A_860, %add3A_861 : i32
      %and3A_863 = arith.constant 127 : i32
      %and3A_864 = arith.andi %reduce_sum3A_344, %and3A_863 : i32
      %broadcast_in_dim3A_865 = vector.broadcast %and3A_864 : i32 to vector<16xi32>
      %broadcast_in_dim3A_866 = vector.broadcast %add3A_862 : i32 to vector<16xi32>
      %add3A_867 = arith.constant 0 : i32
      %add3A_868 = vector.broadcast %add3A_867 : i32 to vector<16xi32>
      %add3A_869 = arith.addi %iota3A, %add3A_868 : vector<16xi32>
      %gather3A_870 = arith.constant 1 : i32
      %gather3A_871 = arith.constant 1 : i32
      %gather3A_872 = arith.constant 0 : i32
      %gather3A_873 = arith.constant 0 : i32
      %gather3A_874 = tpu.memref_slice %arg6[%gather3A_870, %gather3A_871, %gather3A_872, %gather3A_873] : memref<2x8x32x128xf32, #tpu.memory_space<vmem>> -> memref<1x1x32x128xf32, #tpu.memory_space<vmem>>
      %gather3A_875 = tpu.memref_squeeze %gather3A_874 : memref<1x1x32x128xf32, #tpu.memory_space<vmem>> -> memref<32x128xf32, #tpu.memory_space<vmem>>
      %gather3A_876 = tpu.vector_load_idx %gather3A_875[%add3A_869, %broadcast_in_dim3A_865] : memref<32x128xf32, #tpu.memory_space<vmem>>[vector<16xi32>, vector<16xi32>], vector<16xf32>,
      tpu.vector_store_idx %arg7[%add3A_869, %broadcast_in_dim3A_866], %gather3A_876 : memref<32x512xf32, #tpu.memory_space<vmem>>[vector<16xi32>, vector<16xi32>], vector<16xf32>,
      %add3A_877 = arith.constant 16 : i32
      %add3A_878 = vector.broadcast %add3A_877 : i32 to vector<16xi32>
      %add3A_879 = arith.addi %iota3A, %add3A_878 : vector<16xi32>
      %gather3A_880 = arith.constant 1 : i32
      %gather3A_881 = arith.constant 1 : i32
      %gather3A_882 = arith.constant 0 : i32
      %gather3A_883 = arith.constant 0 : i32
      %gather3A_884 = tpu.memref_slice %arg6[%gather3A_880, %gather3A_881, %gather3A_882, %gather3A_883] : memref<2x8x32x128xf32, #tpu.memory_space<vmem>> -> memref<1x1x32x128xf32, #tpu.memory_space<vmem>>
      %gather3A_885 = tpu.memref_squeeze %gather3A_884 : memref<1x1x32x128xf32, #tpu.memory_space<vmem>> -> memref<32x128xf32, #tpu.memory_space<vmem>>
      %gather3A_886 = tpu.vector_load_idx %gather3A_885[%add3A_879, %broadcast_in_dim3A_865] : memref<32x128xf32, #tpu.memory_space<vmem>>[vector<16xi32>, vector<16xi32>], vector<16xf32>,
      tpu.vector_store_idx %arg7[%add3A_879, %broadcast_in_dim3A_866], %gather3A_886 : memref<32x512xf32, #tpu.memory_space<vmem>>[vector<16xi32>, vector<16xi32>], vector<16xf32>,
      %mul3A_887 = arith.constant 8 : i32
      %mul3A_888 = arith.muli %add3A_830, %mul3A_887 : i32
      %add3A_889 = arith.constant 2 : i32
      %add3A_890 = arith.addi %mul3A_888, %add3A_889 : i32
      %and3A_891 = arith.constant 127 : i32
      %and3A_892 = arith.andi %reduce_sum3A_354, %and3A_891 : i32
      %broadcast_in_dim3A_893 = vector.broadcast %and3A_892 : i32 to vector<16xi32>
      %broadcast_in_dim3A_894 = vector.broadcast %add3A_890 : i32 to vector<16xi32>
      %add3A_895 = arith.constant 0 : i32
      %add3A_896 = vector.broadcast %add3A_895 : i32 to vector<16xi32>
      %add3A_897 = arith.addi %iota3A, %add3A_896 : vector<16xi32>
      %gather3A_898 = arith.constant 1 : i32
      %gather3A_899 = arith.constant 2 : i32
      %gather3A_900 = arith.constant 0 : i32
      %gather3A_901 = arith.constant 0 : i32
      %gather3A_902 = tpu.memref_slice %arg6[%gather3A_898, %gather3A_899, %gather3A_900, %gather3A_901] : memref<2x8x32x128xf32, #tpu.memory_space<vmem>> -> memref<1x1x32x128xf32, #tpu.memory_space<vmem>>
      %gather3A_903 = tpu.memref_squeeze %gather3A_902 : memref<1x1x32x128xf32, #tpu.memory_space<vmem>> -> memref<32x128xf32, #tpu.memory_space<vmem>>
      %gather3A_904 = tpu.vector_load_idx %gather3A_903[%add3A_897, %broadcast_in_dim3A_893] : memref<32x128xf32, #tpu.memory_space<vmem>>[vector<16xi32>, vector<16xi32>], vector<16xf32>,
      tpu.vector_store_idx %arg7[%add3A_897, %broadcast_in_dim3A_894], %gather3A_904 : memref<32x512xf32, #tpu.memory_space<vmem>>[vector<16xi32>, vector<16xi32>], vector<16xf32>,
      %add3A_905 = arith.constant 16 : i32
      %add3A_906 = vector.broadcast %add3A_905 : i32 to vector<16xi32>
      %add3A_907 = arith.addi %iota3A, %add3A_906 : vector<16xi32>
      %gather3A_908 = arith.constant 1 : i32
      %gather3A_909 = arith.constant 2 : i32
      %gather3A_910 = arith.constant 0 : i32
      %gather3A_911 = arith.constant 0 : i32
      %gather3A_912 = tpu.memref_slice %arg6[%gather3A_908, %gather3A_909, %gather3A_910, %gather3A_911] : memref<2x8x32x128xf32, #tpu.memory_space<vmem>> -> memref<1x1x32x128xf32, #tpu.memory_space<vmem>>
      %gather3A_913 = tpu.memref_squeeze %gather3A_912 : memref<1x1x32x128xf32, #tpu.memory_space<vmem>> -> memref<32x128xf32, #tpu.memory_space<vmem>>
      %gather3A_914 = tpu.vector_load_idx %gather3A_913[%add3A_907, %broadcast_in_dim3A_893] : memref<32x128xf32, #tpu.memory_space<vmem>>[vector<16xi32>, vector<16xi32>], vector<16xf32>,
      tpu.vector_store_idx %arg7[%add3A_907, %broadcast_in_dim3A_894], %gather3A_914 : memref<32x512xf32, #tpu.memory_space<vmem>>[vector<16xi32>, vector<16xi32>], vector<16xf32>,
      %mul3A_915 = arith.constant 8 : i32
      %mul3A_916 = arith.muli %add3A_830, %mul3A_915 : i32
      %add3A_917 = arith.constant 3 : i32
      %add3A_918 = arith.addi %mul3A_916, %add3A_917 : i32
      %and3A_919 = arith.constant 127 : i32
      %and3A_920 = arith.andi %reduce_sum3A_364, %and3A_919 : i32
      %broadcast_in_dim3A_921 = vector.broadcast %and3A_920 : i32 to vector<16xi32>
      %broadcast_in_dim3A_922 = vector.broadcast %add3A_918 : i32 to vector<16xi32>
      %add3A_923 = arith.constant 0 : i32
      %add3A_924 = vector.broadcast %add3A_923 : i32 to vector<16xi32>
      %add3A_925 = arith.addi %iota3A, %add3A_924 : vector<16xi32>
      %gather3A_926 = arith.constant 1 : i32
      %gather3A_927 = arith.constant 3 : i32
      %gather3A_928 = arith.constant 0 : i32
      %gather3A_929 = arith.constant 0 : i32
      %gather3A_930 = tpu.memref_slice %arg6[%gather3A_926, %gather3A_927, %gather3A_928, %gather3A_929] : memref<2x8x32x128xf32, #tpu.memory_space<vmem>> -> memref<1x1x32x128xf32, #tpu.memory_space<vmem>>
      %gather3A_931 = tpu.memref_squeeze %gather3A_930 : memref<1x1x32x128xf32, #tpu.memory_space<vmem>> -> memref<32x128xf32, #tpu.memory_space<vmem>>
      %gather3A_932 = tpu.vector_load_idx %gather3A_931[%add3A_925, %broadcast_in_dim3A_921] : memref<32x128xf32, #tpu.memory_space<vmem>>[vector<16xi32>, vector<16xi32>], vector<16xf32>,
      tpu.vector_store_idx %arg7[%add3A_925, %broadcast_in_dim3A_922], %gather3A_932 : memref<32x512xf32, #tpu.memory_space<vmem>>[vector<16xi32>, vector<16xi32>], vector<16xf32>,
      %add3A_933 = arith.constant 16 : i32
      %add3A_934 = vector.broadcast %add3A_933 : i32 to vector<16xi32>
      %add3A_935 = arith.addi %iota3A, %add3A_934 : vector<16xi32>
      %gather3A_936 = arith.constant 1 : i32
      %gather3A_937 = arith.constant 3 : i32
      %gather3A_938 = arith.constant 0 : i32
      %gather3A_939 = arith.constant 0 : i32
      %gather3A_940 = tpu.memref_slice %arg6[%gather3A_936, %gather3A_937, %gather3A_938, %gather3A_939] : memref<2x8x32x128xf32, #tpu.memory_space<vmem>> -> memref<1x1x32x128xf32, #tpu.memory_space<vmem>>
      %gather3A_941 = tpu.memref_squeeze %gather3A_940 : memref<1x1x32x128xf32, #tpu.memory_space<vmem>> -> memref<32x128xf32, #tpu.memory_space<vmem>>
      %gather3A_942 = tpu.vector_load_idx %gather3A_941[%add3A_935, %broadcast_in_dim3A_921] : memref<32x128xf32, #tpu.memory_space<vmem>>[vector<16xi32>, vector<16xi32>], vector<16xf32>,
      tpu.vector_store_idx %arg7[%add3A_935, %broadcast_in_dim3A_922], %gather3A_942 : memref<32x512xf32, #tpu.memory_space<vmem>>[vector<16xi32>, vector<16xi32>], vector<16xf32>,
      %mul3A_943 = arith.constant 8 : i32
      %mul3A_944 = arith.muli %add3A_830, %mul3A_943 : i32
      %add3A_945 = arith.constant 4 : i32
      %add3A_946 = arith.addi %mul3A_944, %add3A_945 : i32
      %and3A_947 = arith.constant 127 : i32
      %and3A_948 = arith.andi %reduce_sum3A_374, %and3A_947 : i32
      %broadcast_in_dim3A_949 = vector.broadcast %and3A_948 : i32 to vector<16xi32>
      %broadcast_in_dim3A_950 = vector.broadcast %add3A_946 : i32 to vector<16xi32>
      %add3A_951 = arith.constant 0 : i32
      %add3A_952 = vector.broadcast %add3A_951 : i32 to vector<16xi32>
      %add3A_953 = arith.addi %iota3A, %add3A_952 : vector<16xi32>
      %gather3A_954 = arith.constant 1 : i32
      %gather3A_955 = arith.constant 4 : i32
      %gather3A_956 = arith.constant 0 : i32
      %gather3A_957 = arith.constant 0 : i32
      %gather3A_958 = tpu.memref_slice %arg6[%gather3A_954, %gather3A_955, %gather3A_956, %gather3A_957] : memref<2x8x32x128xf32, #tpu.memory_space<vmem>> -> memref<1x1x32x128xf32, #tpu.memory_space<vmem>>
      %gather3A_959 = tpu.memref_squeeze %gather3A_958 : memref<1x1x32x128xf32, #tpu.memory_space<vmem>> -> memref<32x128xf32, #tpu.memory_space<vmem>>
      %gather3A_960 = tpu.vector_load_idx %gather3A_959[%add3A_953, %broadcast_in_dim3A_949] : memref<32x128xf32, #tpu.memory_space<vmem>>[vector<16xi32>, vector<16xi32>], vector<16xf32>,
      tpu.vector_store_idx %arg7[%add3A_953, %broadcast_in_dim3A_950], %gather3A_960 : memref<32x512xf32, #tpu.memory_space<vmem>>[vector<16xi32>, vector<16xi32>], vector<16xf32>,
      %add3A_961 = arith.constant 16 : i32
      %add3A_962 = vector.broadcast %add3A_961 : i32 to vector<16xi32>
      %add3A_963 = arith.addi %iota3A, %add3A_962 : vector<16xi32>
      %gather3A_964 = arith.constant 1 : i32
      %gather3A_965 = arith.constant 4 : i32
      %gather3A_966 = arith.constant 0 : i32
      %gather3A_967 = arith.constant 0 : i32
      %gather3A_968 = tpu.memref_slice %arg6[%gather3A_964, %gather3A_965, %gather3A_966, %gather3A_967] : memref<2x8x32x128xf32, #tpu.memory_space<vmem>> -> memref<1x1x32x128xf32, #tpu.memory_space<vmem>>
      %gather3A_969 = tpu.memref_squeeze %gather3A_968 : memref<1x1x32x128xf32, #tpu.memory_space<vmem>> -> memref<32x128xf32, #tpu.memory_space<vmem>>
      %gather3A_970 = tpu.vector_load_idx %gather3A_969[%add3A_963, %broadcast_in_dim3A_949] : memref<32x128xf32, #tpu.memory_space<vmem>>[vector<16xi32>, vector<16xi32>], vector<16xf32>,
      tpu.vector_store_idx %arg7[%add3A_963, %broadcast_in_dim3A_950], %gather3A_970 : memref<32x512xf32, #tpu.memory_space<vmem>>[vector<16xi32>, vector<16xi32>], vector<16xf32>,
      %mul3A_971 = arith.constant 8 : i32
      %mul3A_972 = arith.muli %add3A_830, %mul3A_971 : i32
      %add3A_973 = arith.constant 5 : i32
      %add3A_974 = arith.addi %mul3A_972, %add3A_973 : i32
      %and3A_975 = arith.constant 127 : i32
      %and3A_976 = arith.andi %reduce_sum3A_384, %and3A_975 : i32
      %broadcast_in_dim3A_977 = vector.broadcast %and3A_976 : i32 to vector<16xi32>
      %broadcast_in_dim3A_978 = vector.broadcast %add3A_974 : i32 to vector<16xi32>
      %add3A_979 = arith.constant 0 : i32
      %add3A_980 = vector.broadcast %add3A_979 : i32 to vector<16xi32>
      %add3A_981 = arith.addi %iota3A, %add3A_980 : vector<16xi32>
      %gather3A_982 = arith.constant 1 : i32
      %gather3A_983 = arith.constant 5 : i32
      %gather3A_984 = arith.constant 0 : i32
      %gather3A_985 = arith.constant 0 : i32
      %gather3A_986 = tpu.memref_slice %arg6[%gather3A_982, %gather3A_983, %gather3A_984, %gather3A_985] : memref<2x8x32x128xf32, #tpu.memory_space<vmem>> -> memref<1x1x32x128xf32, #tpu.memory_space<vmem>>
      %gather3A_987 = tpu.memref_squeeze %gather3A_986 : memref<1x1x32x128xf32, #tpu.memory_space<vmem>> -> memref<32x128xf32, #tpu.memory_space<vmem>>
      %gather3A_988 = tpu.vector_load_idx %gather3A_987[%add3A_981, %broadcast_in_dim3A_977] : memref<32x128xf32, #tpu.memory_space<vmem>>[vector<16xi32>, vector<16xi32>], vector<16xf32>,
      tpu.vector_store_idx %arg7[%add3A_981, %broadcast_in_dim3A_978], %gather3A_988 : memref<32x512xf32, #tpu.memory_space<vmem>>[vector<16xi32>, vector<16xi32>], vector<16xf32>,
      %add3A_989 = arith.constant 16 : i32
      %add3A_990 = vector.broadcast %add3A_989 : i32 to vector<16xi32>
      %add3A_991 = arith.addi %iota3A, %add3A_990 : vector<16xi32>
      %gather3A_992 = arith.constant 1 : i32
      %gather3A_993 = arith.constant 5 : i32
      %gather3A_994 = arith.constant 0 : i32
      %gather3A_995 = arith.constant 0 : i32
      %gather3A_996 = tpu.memref_slice %arg6[%gather3A_992, %gather3A_993, %gather3A_994, %gather3A_995] : memref<2x8x32x128xf32, #tpu.memory_space<vmem>> -> memref<1x1x32x128xf32, #tpu.memory_space<vmem>>
      %gather3A_997 = tpu.memref_squeeze %gather3A_996 : memref<1x1x32x128xf32, #tpu.memory_space<vmem>> -> memref<32x128xf32, #tpu.memory_space<vmem>>
      %gather3A_998 = tpu.vector_load_idx %gather3A_997[%add3A_991, %broadcast_in_dim3A_977] : memref<32x128xf32, #tpu.memory_space<vmem>>[vector<16xi32>, vector<16xi32>], vector<16xf32>,
      tpu.vector_store_idx %arg7[%add3A_991, %broadcast_in_dim3A_978], %gather3A_998 : memref<32x512xf32, #tpu.memory_space<vmem>>[vector<16xi32>, vector<16xi32>], vector<16xf32>,
      %mul3A_999 = arith.constant 8 : i32
      %mul3A_1000 = arith.muli %add3A_830, %mul3A_999 : i32
      %add3A_1001 = arith.constant 6 : i32
      %add3A_1002 = arith.addi %mul3A_1000, %add3A_1001 : i32
      %and3A_1003 = arith.constant 127 : i32
      %and3A_1004 = arith.andi %reduce_sum3A_394, %and3A_1003 : i32
      %broadcast_in_dim3A_1005 = vector.broadcast %and3A_1004 : i32 to vector<16xi32>
      %broadcast_in_dim3A_1006 = vector.broadcast %add3A_1002 : i32 to vector<16xi32>
      %add3A_1007 = arith.constant 0 : i32
      %add3A_1008 = vector.broadcast %add3A_1007 : i32 to vector<16xi32>
      %add3A_1009 = arith.addi %iota3A, %add3A_1008 : vector<16xi32>
      %gather3A_1010 = arith.constant 1 : i32
      %gather3A_1011 = arith.constant 6 : i32
      %gather3A_1012 = arith.constant 0 : i32
      %gather3A_1013 = arith.constant 0 : i32
      %gather3A_1014 = tpu.memref_slice %arg6[%gather3A_1010, %gather3A_1011, %gather3A_1012, %gather3A_1013] : memref<2x8x32x128xf32, #tpu.memory_space<vmem>> -> memref<1x1x32x128xf32, #tpu.memory_space<vmem>>
      %gather3A_1015 = tpu.memref_squeeze %gather3A_1014 : memref<1x1x32x128xf32, #tpu.memory_space<vmem>> -> memref<32x128xf32, #tpu.memory_space<vmem>>
      %gather3A_1016 = tpu.vector_load_idx %gather3A_1015[%add3A_1009, %broadcast_in_dim3A_1005] : memref<32x128xf32, #tpu.memory_space<vmem>>[vector<16xi32>, vector<16xi32>], vector<16xf32>,
      tpu.vector_store_idx %arg7[%add3A_1009, %broadcast_in_dim3A_1006], %gather3A_1016 : memref<32x512xf32, #tpu.memory_space<vmem>>[vector<16xi32>, vector<16xi32>], vector<16xf32>,
      %add3A_1017 = arith.constant 16 : i32
      %add3A_1018 = vector.broadcast %add3A_1017 : i32 to vector<16xi32>
      %add3A_1019 = arith.addi %iota3A, %add3A_1018 : vector<16xi32>
      %gather3A_1020 = arith.constant 1 : i32
      %gather3A_1021 = arith.constant 6 : i32
      %gather3A_1022 = arith.constant 0 : i32
      %gather3A_1023 = arith.constant 0 : i32
      %gather3A_1024 = tpu.memref_slice %arg6[%gather3A_1020, %gather3A_1021, %gather3A_1022, %gather3A_1023] : memref<2x8x32x128xf32, #tpu.memory_space<vmem>> -> memref<1x1x32x128xf32, #tpu.memory_space<vmem>>
      %gather3A_1025 = tpu.memref_squeeze %gather3A_1024 : memref<1x1x32x128xf32, #tpu.memory_space<vmem>> -> memref<32x128xf32, #tpu.memory_space<vmem>>
      %gather3A_1026 = tpu.vector_load_idx %gather3A_1025[%add3A_1019, %broadcast_in_dim3A_1005] : memref<32x128xf32, #tpu.memory_space<vmem>>[vector<16xi32>, vector<16xi32>], vector<16xf32>,
      tpu.vector_store_idx %arg7[%add3A_1019, %broadcast_in_dim3A_1006], %gather3A_1026 : memref<32x512xf32, #tpu.memory_space<vmem>>[vector<16xi32>, vector<16xi32>], vector<16xf32>,
      %mul3A_1027 = arith.constant 8 : i32
      %mul3A_1028 = arith.muli %add3A_830, %mul3A_1027 : i32
      %add3A_1029 = arith.constant 7 : i32
      %add3A_1030 = arith.addi %mul3A_1028, %add3A_1029 : i32
      %and3A_1031 = arith.constant 127 : i32
      %and3A_1032 = arith.andi %reduce_sum3A_404, %and3A_1031 : i32
      %broadcast_in_dim3A_1033 = vector.broadcast %and3A_1032 : i32 to vector<16xi32>
      %broadcast_in_dim3A_1034 = vector.broadcast %add3A_1030 : i32 to vector<16xi32>
      %add3A_1035 = arith.constant 0 : i32
      %add3A_1036 = vector.broadcast %add3A_1035 : i32 to vector<16xi32>
      %add3A_1037 = arith.addi %iota3A, %add3A_1036 : vector<16xi32>
      %gather3A_1038 = arith.constant 1 : i32
      %gather3A_1039 = arith.constant 7 : i32
      %gather3A_1040 = arith.constant 0 : i32
      %gather3A_1041 = arith.constant 0 : i32
      %gather3A_1042 = tpu.memref_slice %arg6[%gather3A_1038, %gather3A_1039, %gather3A_1040, %gather3A_1041] : memref<2x8x32x128xf32, #tpu.memory_space<vmem>> -> memref<1x1x32x128xf32, #tpu.memory_space<vmem>>
      %gather3A_1043 = tpu.memref_squeeze %gather3A_1042 : memref<1x1x32x128xf32, #tpu.memory_space<vmem>> -> memref<32x128xf32, #tpu.memory_space<vmem>>
      %gather3A_1044 = tpu.vector_load_idx %gather3A_1043[%add3A_1037, %broadcast_in_dim3A_1033] : memref<32x128xf32, #tpu.memory_space<vmem>>[vector<16xi32>, vector<16xi32>], vector<16xf32>,
      tpu.vector_store_idx %arg7[%add3A_1037, %broadcast_in_dim3A_1034], %gather3A_1044 : memref<32x512xf32, #tpu.memory_space<vmem>>[vector<16xi32>, vector<16xi32>], vector<16xf32>,
      %add3A_1045 = arith.constant 16 : i32
      %add3A_1046 = vector.broadcast %add3A_1045 : i32 to vector<16xi32>
      %add3A_1047 = arith.addi %iota3A, %add3A_1046 : vector<16xi32>
      %gather3A_1048 = arith.constant 1 : i32
      %gather3A_1049 = arith.constant 7 : i32
      %gather3A_1050 = arith.constant 0 : i32
      %gather3A_1051 = arith.constant 0 : i32
      %gather3A_1052 = tpu.memref_slice %arg6[%gather3A_1048, %gather3A_1049, %gather3A_1050, %gather3A_1051] : memref<2x8x32x128xf32, #tpu.memory_space<vmem>> -> memref<1x1x32x128xf32, #tpu.memory_space<vmem>>
      %gather3A_1053 = tpu.memref_squeeze %gather3A_1052 : memref<1x1x32x128xf32, #tpu.memory_space<vmem>> -> memref<32x128xf32, #tpu.memory_space<vmem>>
      %gather3A_1054 = tpu.vector_load_idx %gather3A_1053[%add3A_1047, %broadcast_in_dim3A_1033] : memref<32x128xf32, #tpu.memory_space<vmem>>[vector<16xi32>, vector<16xi32>], vector<16xf32>,
      tpu.vector_store_idx %arg7[%add3A_1047, %broadcast_in_dim3A_1034], %gather3A_1054 : memref<32x512xf32, #tpu.memory_space<vmem>>[vector<16xi32>, vector<16xi32>], vector<16xf32>,
    }
    %scan3A_239 = arith.constant 32 : i32
    "tpu.region"() ({
      %run_scoped3A = tpu.sem_alloc : memref<!tpu.dma_semaphore, #tpu.memory_space<semaphore_mem>>
      %dma_start3A_240 = arith.constant 0 : i32
      %dma_start3A_241 = tpu.memref_slice %arg4[%dma_start3A_240, %mul3A_2] : memref<32x16384xf32, #tpu.memory_space<hbm>> -> memref<32x512xf32, #tpu.memory_space<hbm>>
      %dma_start3A_242 = arith.constant 0 : i32
      %dma_start3A_243 = tpu.memref_slice %arg4[%dma_start3A_242, %mul3A_2] : memref<32x16384xf32, #tpu.memory_space<hbm>> -> memref<32x512xf32, #tpu.memory_space<hbm>>
      tpu.enqueue_dma source(%arg7 : memref<32x512xf32, #tpu.memory_space<vmem>>) target(%dma_start3A_243 : memref<32x512xf32, #tpu.memory_space<hbm>>) target_semaphore(%run_scoped3A : memref<!tpu.dma_semaphore, #tpu.memory_space<semaphore_mem>>)
      %dma_wait3A = arith.constant 0 : i32
      %dma_wait3A_244 = tpu.memref_slice %arg4[%dma_wait3A, %mul3A_2] : memref<32x16384xf32, #tpu.memory_space<hbm>> -> memref<32x512xf32, #tpu.memory_space<hbm>>
      %dma_wait3A_245 = arith.constant 0 : i32
      %dma_wait3A_246 = tpu.memref_slice %arg4[%dma_wait3A_245, %mul3A_2] : memref<32x16384xf32, #tpu.memory_space<hbm>> -> memref<32x512xf32, #tpu.memory_space<hbm>>
      tpu.wait_dma2 semaphore(%run_scoped3A : memref<!tpu.dma_semaphore, #tpu.memory_space<semaphore_mem>>) src(%arg7 : memref<32x512xf32, #tpu.memory_space<vmem>>) dst(%dma_wait3A_246 : memref<32x512xf32, #tpu.memory_space<hbm>>)
      tpu.yield
    }) : () -> ()
    return
  }
}

</mosaic_0001>

<sc_bundles>
// kernel: kernel.3.cloned.1.call-start
scs
__scs_entry_jumppad:
0x0: {  	(pc) =	sbr.rel $0x88, $3  }
0x1: {  	(tag) =	ssettag $0x0;
	lr =	simm.s32 $0x1  }
0x2: {  	[smem:$0x3F9F] =	sst lr;
	_ =	strace $0xD0000000  }
0x3: {  	_ = 	snop  }
0x4: {  	_ = 	snop  }
0x5: {  	_ = 	snop  }
0x6: {  	_ = 	snop  }
0x7: {  	_ = 	snop  }
__scs_overlays_trampoline_lowered:
0x8: {  	[smem:$0x3FAE] =	sst s0  }
0x9: {  	[smem:$0x3FAF] =	sst s1  }
0xa: {  	[smem:$0x3FB0] =	sst s2  }
0xb: {  	[smem:$0x3FB1] =	sst s3  }
0xc: {  	[smem:$0x3FB2] =	sst s4  }
0xd: {  	[smem:$0x3FB3] =	sst s5  }
0xe: {  	[smem:$0x3FB4] =	sst s6  }
0xf: {  	[smem:$0x3FB5] =	sst s7  }
0x10: {  	[smem:$0x3FB6] =	sst s8  }
0x11: {  	[smem:$0x3FB7] =	sst s9;
	s0 =	simm.s32 @!p0 $0x0  }
0x12: {  	s1 =	sld [smem:$0x3F9D];
	s0 =	simm.s32 @p0 $0x1  }
0x13: {  	[smem:$0x3FB8] =	sst s0;
	s0 =	simm.s32 @!p1 $0x0  }
0x14: {  	s2 =	sld [smem:$0x3F9C];
	s0 =	simm.s32 @p1 $0x1  }
0x15: {  	[smem:$0x3FB9] =	sst s0;
	s0 =	simm.s32 @!p2 $0x0  }
0x16: {  	s3 =	sld [smem:$0x3FDB];
	s0 =	simm.s32 @p2 $0x1  }
0x17: {  	s4 =	simm.s32 $0x1BF5;
	[smem:$0x3FBB] =	sst s0  }
0x18: {  	s0 =	sld [smem:$0x3F9E];
	_ =	swait.ge [sflag:s4], $0x0  }
0x19: {  	s7 =	sld [smem:$0x3F9F]  }
0x1a: {  	s8 =	sadd.s32 $0xFFFFE003, lr  }
0x1b: {  	s9 =	sadd.s32 $0xFFFFFEF7, lr;
	s5 =	simm.s32 $0xFFFFFFFF;
	p2 =	slt.u32 s8, $0xFFFFF086  }
0x1c: {  	p1 =	slt.u32 s9, $0xF7A;
	s5 =	simm.s32 @!p2 $0x0  }
0x1d: {  	s5 =	simm.s32 @p1 $0x1;
	p0 =	seq.s32 s7, s2  }
0x1e: {  	s7 =	smul.u32 @!p0 $0xF7A, s2;
	p2 =	seq.s32 @!p0 s5, $0x0  }
0x1f: {  	s9 =	smul.u32 $0xF7A, s1;
	s8 =	simm.s32 @!p0 $0x1BF5;
	p2 =	por !p2, p0  }
0x20: {  	[sflag:s8] =	ssyncset.s32 @!p0 $0xFFFFF086;
	s6 =	sadd.s32 @!p0 s3, s7;
	s7 =	simm.s32 @!p0 $0x108  }
0x21: {  	s3 =	sadd.s32 s3, s9;
	s6 =	sadd.s32 @!p0 $0x88, s6;
	s7 =	simm.s32 @p2 $0x1082  }
0x22: {  	[simem:s7], [sflag:s8] =	dma.local @!p0 [hbm:s6], $0xF7A  }
0x23: {  	s9 =	sor.u32 $0xD0000000, s2;
	s6 =	simm.s32 $0x108;
	_ =	swait.ge @!p0 [sflag:s8], $0x0  }
0x24: {  	s3 =	sadd.s32 $0x88, s3;
	s6 =	simm.s32 @!p1 $0x1082;
	[sflag:s4] =	ssyncset.s32 $0xFFFFF086  }
0x25: {  	[simem:s6], [sflag:s4] =	dma.local [hbm:s3], $0xF7A  }
0x26: {  	[smem:$0x3F9F] =	sst s1;
	(tag) =	ssettag s2;
	_ =	strace s9  }
0x27: {  	s1 =	sld [smem:$0x3FAF]  }
0x28: {  	s2 =	sld [smem:$0x3FB0]  }
0x29: {  	s4 =	sld [smem:$0x3FB2]  }
0x2a: {  	p0 =	seq.s32 s5, $0x0;
	s5 =	sld [smem:$0x3FB3]  }
0x2b: {  	s6 =	sld [smem:$0x3FB4]  }
0x2c: {  	s7 =	sld [smem:$0x3FB5]  }
0x2d: {  	s3 =	simm.s32 $0x108;
	s8 =	sld [smem:$0x3FB6]  }
0x2e: {  	s3 =	simm.s32 @!p0 $0x1082;
	s9 =	sld [smem:$0x3FB7]  }
0x2f: {  	lr =	sadd.s32 s0, s3;
	s0 =	sld [smem:$0x3FAE]  }
0x30: {  	s3 =	sld [smem:$0x3FB1]  }
0x31: {  	[smem:$0x3FBA] =	sst s10  }
0x32: {  	s10 =	sld [smem:$0x3FB8];
	_ =	sdelay $0x3  }
0x33: {  	p0 =	seq.s32 s10, $0x1;
	s10 =	sld [smem:$0x3FBA];
	_ =	sdelay $0x3  }
0x34: {  	[smem:$0x3FBA] =	sst s10  }
0x35: {  	s10 =	sld [smem:$0x3FB9];
	_ =	sdelay $0x3  }
0x36: {  	p1 =	seq.s32 s10, $0x1;
	s10 =	sld [smem:$0x3FBA];
	_ =	sdelay $0x3  }
0x37: {  	[smem:$0x3FBA] =	sst s10  }
0x38: {  	s10 =	sld [smem:$0x3FBB]  }
0x39: {  	_ = 	snop;
	(pc) =	sbr.ind lr, $3  }
0x3a: {  	_ = 	snop  }
0x3b: {  	_ = 	snop  }
0x3c: {  	p2 =	seq.s32 s10, $0x1;
	s10 =	sld [smem:$0x3FBA]  }
0x3d: {  	_ =	shalt  }
0x3e: {  	_ =	shalt  }
0x3f: {  	_ =	shalt  }
0x40: {  	_ =	shalt  }
0x41: {  	_ =	shalt  }
0x42: {  	_ =	shalt  }
0x43: {  	_ =	shalt  }
0x44: {  	_ =	shalt  }
0x45: {  	_ =	shalt  }
0x46: {  	_ =	shalt  }
0x47: {  	_ =	shalt  }
0x48: {  	_ =	shalt  }
0x49: {  	_ =	shalt  }
0x4a: {  	_ =	shalt  }
0x4b: {  	_ =	shalt  }
0x4c: {  	_ =	shalt  }
0x4d: {  	_ =	shalt  }
0x4e: {  	_ =	shalt  }
0x4f: {  	_ =	shalt  }
0x50: {  	_ =	shalt  }
0x51: {  	_ =	shalt  }
0x52: {  	_ =	shalt  }
0x53: {  	_ =	shalt  }
0x54: {  	_ =	shalt  }
0x55: {  	_ =	shalt  }
0x56: {  	_ =	shalt  }
0x57: {  	_ =	shalt  }
0x58: {  	_ =	shalt  }
0x59: {  	_ =	shalt  }
0x5a: {  	_ =	shalt  }
0x5b: {  	_ =	shalt  }
0x5c: {  	_ =	shalt  }
0x5d: {  	_ =	shalt  }
0x5e: {  	_ =	shalt  }
0x5f: {  	_ =	shalt  }
0x60: {  	_ =	shalt  }
0x61: {  	_ =	shalt  }
0x62: {  	_ =	shalt  }
0x63: {  	_ =	shalt  }
0x64: {  	_ =	shalt  }
0x65: {  	_ =	shalt  }
0x66: {  	_ =	shalt  }
0x67: {  	_ =	shalt  }
0x68: {  	_ =	shalt  }
0x69: {  	_ =	shalt  }
0x6a: {  	_ =	shalt  }
0x6b: {  	_ =	shalt  }
0x6c: {  	_ =	shalt  }
0x6d: {  	_ =	shalt  }
0x6e: {  	_ =	shalt  }
0x6f: {  	_ =	shalt  }
0x70: {  	_ =	shalt  }
0x71: {  	_ =	shalt  }
0x72: {  	_ =	shalt  }
0x73: {  	_ =	shalt  }
0x74: {  	_ =	shalt  }
0x75: {  	_ =	shalt  }
0x76: {  	_ =	shalt  }
0x77: {  	_ =	shalt  }
0x78: {  	_ =	shalt  }
0x79: {  	_ =	shalt  }
0x7a: {  	_ =	shalt  }
0x7b: {  	_ =	shalt  }
0x7c: {  	_ =	shalt  }
0x7d: {  	_ =	shalt  }
0x7e: {  	_ =	shalt  }
0x7f: {  	_ =	shalt  }
0x80: {  	_ =	shalt  }
0x81: {  	_ =	shalt  }
0x82: {  	_ =	shalt  }
0x83: {  	_ =	shalt  }
0x84: {  	_ =	shalt  }
0x85: {  	_ =	shalt  }
0x86: {  	_ =	shalt  }
0x87: {  	_ =	shalt  }
.Lfunc_end0:
.L_simem_size_0:
called_computation_lowered:
.L_overlay_start_0:
0x88: {  	s2 =	sld [smem:$0x3FD9]  }
0x89: {  	s3 =	sld [smem:$0x3FFE];
	_ =	sdelay $0x1  }
0x8a: {  	s1 =	srdreg.scid  }
0x8b: {  	s0 =	sand.u32 $0x1, s1  }
0x8c: {  	s18 =	sshll.u32 s0, $0xA;
	s2 =	sadd.s32 s3, s2  }
0x8d: {  	s2 =	sadd.s32 s2, s18  }
0x8e: {  	[smem:$0x3FC6] =	sst s2  }
0x8f: {  	_ = 	snop  }
0x90: {  	s2 =	sld [smem:$0x3FC9]  }
0x91: {  	s19 =	sld [smem:$0x3FC8]  }
0x92: {  	s4 =	sld [smem:$0x3FD0];
	(tm) =	ssettm $0x1  }
0x93: {  	s5 =	sld [smem:$0x3FFB];
	_ =	sdelay $0x3  }
0x94: {  	_ =	strace s5  }
0x95: {  	s5 =	sld [smem:$0x3FFC];
	_ =	sdelay $0x3  }
0x96: {  	_ =	strace s5  }
0x97: {  	s5 =	sld [smem:$0x3FFD];
	_ =	sdelay $0x3  }
0x98: {  	_ =	strace s5  }
0x99: {  	_ =	strace $0x8FFFFFFF  }
0x9a: {  	s20 =	sld [smem:$0x3FDB];
	_ =	sdelay $0x1  }
0x9b: {  	s6 =	simm.s32 $_scs_section_size  }
0x9c: {  	s7 =	simm.s32 $_size__tile_overlayer_lowered;
	s8 =	simm.s32 $_tile_overlayer_lowered  }
0x9d: {  	s23 =	simm.s32 $0x1BFF;
	s22 =	sshll.u32 s8, $0x1;
	s5 =	sadd.s32 s6, s20  }
0x9e: {  	s9 =	simm.s32 $0x0;
	s21 =	sshll.u32 s7, $0x1;
	s7 =	sadd.s32 s22, s5  }
0x9f: {  	[timem:s9], [sflag:s23] =	dma.local [hbm:s7], s21  }
0xa0: {  	_ =	swait.ge [sflag:s23], s21  }
0xa1: {  	s6 =	ssub.s32 $0x0, s21;
	[sflag:s23] =	ssyncset.done $0x0  }
0xa2: {  	[sflag:s23] =	ssyncadd.s32 s6;
	_ =	sdelay $0x1  }
0xa3: {  	s24 =	simm.s32 $0x1B8B  }
0xa4: {  	_ =	swait.ge [sflag:s24], $0x1  }
0xa5: {  	[sflag:s24] =	ssyncset.done $0x0  }
0xa6: {  	s25 =	simm.s32 $0x1B8E;
	[sflag:s24] =	ssyncadd.s32 $0xFFFFFFFF  }
0xa7: {  	s26 =	simm.s32 $execute0_lowered;
	[smem:$0x3FD2] =	sst s25  }
0xa8: {  	s6 =	sshll.u32 s26, $0x1;
	_ =	strace $0x80000046;
	[dreg:$0x1] =	wrdreg $0xFFFFFFFF  }
0xa9: {  	s28 =	simm.s32 $_size_execute0_lowered;
	s5 =	sadd.s32 s5, s6;
	[dreg:$0x0] =	wrdreg $0x0  }
0xaa: {  	s6 =	sshll.u32 s28, $0x1;
	[dreg:$0x2] =	wrdreg s5  }
0xab: {  	[dreg:$0x3] =	wrdreg s6  }
0xac: {  	[dreg:$0x4] =	wrdreg $0xC0  }
0xad: {  	_ =	task [dreg:s9], $0x5FFFF  }
0xae: {  	[dreg:$0x1] =	wrdreg $0xFFFFFFFF  }
0xaf: {  	[dreg:$0x0] =	wrdreg $0x60  }
0xb0: {  	[dreg:$0x2] =	wrdreg s19  }
0xb1: {  	[dreg:$0x3] =	wrdreg s2  }
0xb2: {  	[dreg:$0x4] =	wrdreg s4  }
0xb3: {  	[dreg:$0x5] =	wrdreg $0x9  }
0xb4: {  	_ =	task.clear_ibuf [dreg:s9], $0x6FFFF;
	_ =	strace $0x90000046  }
0xb5: {  	s29 =	simm.s32 $0x9;
	_ =	strace $0x80000048  }
0xb6: {  	_ =	swait.ge [sflag:s29], $0x1  }
0xb7: {  	[sflag:s29] =	ssyncadd.s32 $0xFFFFFFFF  }
0xb8: {  	_ =	strace $0x90000048  }
0xb9: {  	_ =	sfence  }
0xba: {  	s30 =	sld [smem:$0x0];
	_ =	sdelay $0x2  }
0xbb: {  	s31 =	sshll.u32 s1, $0xD;
	s1 =	sshrl.u32 s1, $0x2  }
0xbc: {  	s3 =	sand.u32 $0x4000, s31;
	s1 =	sadd.s32 s1, s30  }
0xbd: {  	s0 =	sor.u32 s3, s0;
	s1 =	sshll.u32 s1, $0x11  }
0xbe: {  	s0 =	sor.u32 s1, s0  }
0xbf: {  	s0 =	sadd.s32 $0x8F2B, s0  }
0xc0: {  	[sflag:s0] =	ssyncadd.remote.s32 $0x1  }
0xc1: {  	_ =	sfence.sel $0xFFFF  }
0xc2: {  	[dreg:$0x0] =	wrdreg $0xFFFFFFFF;
	(pc) =	sbr.abs _section_cstart, $3  }
0xc3: {  	[dreg:$0x1] =	wrdreg $0xFFFFFFFF  }
0xc4: {  	_ =	task.clear_ibuf [dreg:s9], $0x2FFFF;
	_ =	strace $0x9FFFFFFF  }
0xc5: {  	(tm) =	ssettm $0x7FFFFFFF  }
tec
execute0_lowered:
.L_overlay_start_1:
0x0: {  	(tag) =	ssettag $0x1  }
0x1: {  	vm0 =	vcmask $0x70C  }
0x2: {  	vm1 =	vcmask $0xB10;
	vm2 =	vcmask $0xF14;
	vm3 =	vcmask $0x1318  }
0x3: {  	vm4 =	vcmask $0x171C;
	vm5 =	vcmask $0x1B20;
	vm6 =	vmmov $0x1  }
0x4: {  	vm7 =	vcmask $0x308;
	vm8 =	vcmask $0x1F24;
	vm9 =	vcmask $0x272C  }
0x5: {  	vm10 =	vcmask $0x2B30;
	vm11 =	vcmask $0x2F34;
	vm12 =	vcmask $0x3338  }
0x6: {  	vm13 =	vcmask $0x373C;
	v0 =	vlaneseq.u32;
	v1 =	vimm.s32 $0x1380  }
0x7: {  	vm14 =	vcmask $0x300;
	vm15 =	vcmask $0x704;
	v2 =	vimm.s32 $0x3380  }
0x8: {  	v0 =	vmul.u32 $0x80, v0;
	v1 =	vsel vm14, $0x0, v1;
	v2 =	vsel vm14, $0x2000, v2  }
0x9: {  	vm14 =	vcmask $0xB08;
	v1 =	vsel vm15, $0x80, v1;
	v2 =	vsel vm15, $0x2080, v2  }
0xa: {  	s0 =	rddreg [dreg:$0x0];
	vm15 =	vcmask $0xF0C;
	v1 =	vsel vm14, $0x100, v1;
	v2 =	vsel vm14, $0x2100, v2  }
0xb: {  	s1 =	rddreg [dreg:$0x1];
	vm14 =	vcmask $0x1310;
	v3 =	vor.u32 $0x800, v0;
	v1 =	vsel vm15, $0x180, v1  }
0xc: {  	s2 =	srdreg.scid;
	s3 =	rddreg [dreg:$0x2];
	v2 =	vsel vm15, $0x2180, v2;
	vm15 =	vcmask $0x1714;
	v1 =	vsel vm14, $0x200, v1  }
0xd: {  	s4 =	stileid.u32;
	s6 =	simm.s32 $0x0;
	s9 =	simm.s32 $0x7A1400;
	v2 =	vsel vm14, $0x2200, v2;
	vm14 =	vcmask $0x1B18;
	v1 =	vsel vm15, $0x280, v1  }
0xe: {  	s7 =	simm.s32 $0x400;
	s19 =	simm.s32 $0x200;
	s18 =	simm.s32 $0x1200;
	v2 =	vsel vm15, $0x2280, v2;
	vm15 =	vcmask $0x1F1C;
	v1 =	vsel vm14, $0x300, v1  }
0xf: {  	s20 =	simm.s32 $0x2200;
	s21 =	simm.s32 $0x3200;
	s22 =	simm.s32 $0x4200;
	v2 =	vsel vm14, $0x2300, v2;
	vm14 =	vcmask $0x2320;
	v1 =	vsel vm15, $0x380, v1  }
0x10: {  	s23 =	simm.s32 $0x5200;
	s24 =	simm.s32 $0x6200;
	s28 =	simm.s32 $0x10200;
	v2 =	vsel vm15, $0x2380, v2;
	vm15 =	vcmask $0x2724;
	v1 =	vsel vm14, $0x1000, v1  }
0x11: {  	s29 =	simm.s32 $0x2;
	s2 =	sand.u32 $0x1, s2;
	s4 =	sshll.u32 s4, $0xA;
	v2 =	vsel vm14, $0x3000, v2;
	vm14 =	vcmask $0x2B28;
	v1 =	vsel vm15, $0x1080, v1  }
0x12: {  	[smem:$0x7FF] =	sst s6;
	s5 =	sshll.u32 s2, $0x9;
	s2 =	ssub.s32 $0x2, s2;
	v2 =	vsel vm15, $0x3080, v2;
	vm15 =	vcmask $0x2F2C;
	v1 =	vsel vm14, $0x1100, v1  }
.Ltmp0:
0x13: {  	_ =	strace $0x80000047;
	s4 =	sor.u32 s5, s4;
	v2 =	vsel vm14, $0x3100, v2;
	vm14 =	vcmask $0x3330;
	v1 =	vsel vm15, $0x1180, v1;
	(pc) =	sbr.rel .LBB2_1-.Ltmp0, $4  }
0x14: {  	s25 =	sshrl.u32 s2, $0x1;
	s26 =	sshrl.u32 s4, $0x3;
	s30 =	sadd.s32 s3, s4;
	v2 =	vsel vm15, $0x3180, v2;
	vm15 =	vcmask $0x3330;
	v1 =	vsel vm14, $0x1200, v1  }
0x15: {  	s2 =	ssub.s32 s2, s25;
	s1 =	sadd.s32 s1, s26;
	[dreg:$0x5] =	wrdreg s30;
	vm14 =	vcmask $0x3734;
	v2 =	vsel vm15, $0x3200, v2;
	vm15 =	vcmask $0x3B38  }
0x16: {  	s3 =	simm.s32 $0x3;
	s31 =	smax.u32 s2, $0x1;
	[dreg:$0x4] =	wrdreg s1;
	v1 =	vsel vm14, $0x1280, v1;
	v2 =	vsel vm14, $0x3280, v2;
	vm14 =	vmmov $0x7fff  }
0x17: {  	s25 =	simm.s32 $0x7200;
	s2 =	simm.s32 $0x0;
	[dreg:$0x6] =	wrdreg s31;
	v1 =	vsel vm15, $0x1300, v1;
	v2 =	vsel vm15, $0x3300, v2;
	vm15 =	vcmask $0x2328  }
.LBB2_5:
0x18: {  	s1 =	rddreg [dreg:$0x5];
	s2 =	simm.s32 $0x1000;
	s3 =	simm.s32 $0x20000  }
0x19: {  	[hbm4b:s1+s2] =	stream.strided.scatter [tilespmem:s28], [sflag:$0x3], $0x4000, s3, s2, $0x38;
	[tilespmem:$0x14200] =	vst v63  }
0x1a: {  	s3 =	simm.s32 $0x3  }
0x1b: {  	_ =	swait.ge [sflag:s3], $0x4000  }
0x1c: {  	s30 =	rddreg [dreg:$0x7]  }
0x1d: {  	s31 =	rddreg [dreg:$0x6];
	s2 =	sadd.s32 $0x1, s30  }
0x1e: {  	p0 =	sne.s32 s2, s31  }
.Ltmp1:
0x1f: {  	_ = 	snop;
	(pc) =	sbr.rel @!p0 .LBB2_6-.Ltmp1, $3  }
0x20: {  	_ =	sdelay $0x1  }
0x21: {  	[sflag:s3] =	ssyncset.done $0x0  }
0x22: {  	[sflag:s3] =	ssyncadd.s32 $0xFFFFC000  }
.LBB2_1:
0x23: {  	[dreg:$0x7] =	wrdreg s2  }
0x24: {  	s1 =	simm.s32 $0x0;
	s14 =	rddreg [dreg:$0x4]  }
0x25: {  	[tilespmem:s1], [sflag:$0x3] =	stream.linear.gather [hbm4b:s14+s1], $0x200, $0x38;
	[tilespmem:$0x14200] =	vst v63  }
0x26: {  	_ =	swait.ge [sflag:s3], $0x200  }
0x27: {  	[sflag:s3] =	ssyncset.done $0x0  }
0x28: {  	[sflag:s3] =	ssyncadd.s32 $0xFFFFFE00  }
0x29: {  	v4 =	vld [tilespmem:$0x0];
	_ =	sdelay $0x4  }
0x2a: {  	v5 =	vsel vm0, $0x0, v4  }
0x2b: {  	(xrf0) =	vadd.scan.msk.s32 $0xffff, v5;
	v5 =	vsel vm1, $0x0, v4  }
0x2c: {  	(xrf0) =	vadd.scan.msk.s32 $0xffff, v5;
	v5 =	vsel vm2, $0x0, v4  }
0x2d: {  	(xrf0) =	vadd.scan.msk.s32 $0xffff, v5;
	v5 =	vsel vm3, $0x0, v4  }
0x2e: {  	(xrf0) =	vadd.scan.msk.s32 $0xffff, v5;
	v5 =	vsel vm4, $0x0, v4  }
0x2f: {  	(xrf0) =	vadd.scan.msk.s32 $0xffff, v5;
	v5 =	vsel vm5, $0x0, v4  }
0x30: {  	(xrf0) =	vadd.scan.msk.s32 $0xffff, v5;
	v5 =	vnsel vm6, $0x0, v4;
	_ =	sdelay $0x1  }
0x31: {  	v6, _, _ =	vpop (xrf0);
	(xrf0) =	vadd.scan.msk.s32 $0xffff, v5  }
0x32: {  	(v2sf) =	vpush v6, $0xF;
	v5, _, _ =	vpop (xrf0)  }
0x33: {  	v4 =	vsel vm7, $0x0, v4;
	v63, _, _ =	vpop (xrf0);
	(v2sf) =	vpush v5, $0xF  }
0x34: {  	v5, _, _ =	vpop (xrf0);
	(v2sf) =	vpush v63, $0xF  }
0x35: {  	(xrf0) =	vadd.scan.msk.s32 $0xffff, v4;
	(v2sf) =	vpush v5, $0xF;
	v5, _, _ =	vpop (xrf0)  }
0x36: {  	v4, _, _ =	vpop (xrf0);
	(v2sf) =	vpush v5, $0xF  }
0x37: {  	v5, _, _ =	vpop (xrf0);
	(v2sf) =	vpush v4, $0xF  }
0x38: {  	(v2sf) =	vpush v5, $0xF;
	_ =	sdelay $0x2  }
0x39: {  	v4, _, _ =	vpop (xrf0)  }
0x3a: {  	(v2sf) =	vpush v4, $0xF;
	_ =	sdelay $0x4  }
0x3b: {  	s15 =	spop (v2sf)  }
0x3c: {  	s16 =	spop (v2sf)  }
0x3d: {  	s17 =	spop (v2sf)  }
0x3e: {  	s4 =	spop (v2sf)  }
0x3f: {  	s5 =	spop (v2sf)  }
0x40: {  	s6 =	spop (v2sf)  }
0x41: {  	s8 =	spop (v2sf)  }
0x42: {  	s8 =	sand.u32 $0xFFFFF80, s8  }
0x43: {  	s8 =	sadd.s32 s0, s8  }
0x44: {  	[tilespmem:s19], [sflag:$0x1] =	stream.strided.gather [hbm4b:s8+s7], $0x1000, s9, s7, $0x38;
	[tilespmem:$0x14200] =	vst v63  }
0x45: {  	s19 =	spop (v2sf)  }
0x46: {  	s8 =	sand.u32 $0xFFFFF80, s19  }
0x47: {  	s1 =	sand.u32 $0xFFFFF80, s15;
	s8 =	sadd.s32 s0, s8  }
0x48: {  	[tilespmem:s18], [sflag:$0x1] =	stream.strided.gather [hbm4b:s8+s7], $0x1000, s9, s7, $0x38;
	[tilespmem:$0x14200] =	vst v63  }
0x49: {  	s1 =	sadd.s32 s0, s1  }
0x4a: {  	[tilespmem:s20], [sflag:$0x1] =	stream.strided.gather [hbm4b:s1+s7], $0x1000, s9, s7, $0x38;
	[tilespmem:$0x14200] =	vst v63  }
0x4b: {  	s20 =	sand.u32 $0xFFFFF80, s16  }
0x4c: {  	s1 =	sadd.s32 s0, s20  }
0x4d: {  	[tilespmem:s21], [sflag:$0x1] =	stream.strided.gather [hbm4b:s1+s7], $0x1000, s9, s7, $0x38;
	[tilespmem:$0x14200] =	vst v63  }
0x4e: {  	s21 =	sand.u32 $0xFFFFF80, s17  }
0x4f: {  	s26 =	sand.u32 $0xFFFFF80, s4;
	s1 =	sadd.s32 s0, s21  }
0x50: {  	[tilespmem:s22], [sflag:$0x1] =	stream.strided.gather [hbm4b:s1+s7], $0x1000, s9, s7, $0x38;
	[tilespmem:$0x14200] =	vst v63  }
0x51: {  	s30 =	sand.u32 $0xFFFFF80, s5;
	s1 =	sadd.s32 s0, s26  }
0x52: {  	[tilespmem:s23], [sflag:$0x1] =	stream.strided.gather [hbm4b:s1+s7], $0x1000, s9, s7, $0x38;
	[tilespmem:$0x14200] =	vst v63  }
.Ltmp2:
0x53: {  	s31 =	sand.u32 $0xFFFFF80, s6;
	s1 =	sadd.s32 s0, s30;
	(pc) =	sbr.rel .LBB2_2-.Ltmp2, $4  }
0x54: {  	[tilespmem:s24], [sflag:$0x1] =	stream.strided.gather [hbm4b:s1+s7], $0x1000, s9, s7, $0x38;
	[tilespmem:$0x14200] =	vst v63  }
0x55: {  	s1 =	sadd.s32 s0, s31  }
0x56: {  	[tilespmem:s25], [sflag:$0x1] =	stream.strided.gather [hbm4b:s1+s7], $0x1000, s9, s7, $0x38;
	[tilespmem:$0x14200] =	vst v63  }
0x57: {  	s3 =	simm.s32 $0x10;
	s1 =	simm.s32 $0xF  }
.LBB2_4:
0x58: {  	s10 =	sand.u32 $0x7F, s10  }
0x59: {  	s11 =	sadd.s32 $0xFFFFFFF9, s1;
	v4 =	vor.u32 s10, v0  }
0x5a: {  	v5 =	vmov s11  }
0x5b: {  	_ =	swait.ge [sflag:s29], $0x8000;
	v6 =	vshll.u32 v5, $0x3  }
0x5c: {  	[sflag:s29] =	ssyncset.done $0x0;
	v5 =	vand.u32 $0x78, v5;
	v6 =	vand.u32 $0xC00, v6  }
0x5d: {  	s16 =	simm.s32 $0x8200;
	[sflag:s29] =	ssyncadd.s32 $0xFFFF8000;
	v5 =	vor.u32 v5, v6  }
0x5e: {  	v6 =	vor.u32 v1, v5;
	v4 =	vld.idx.msk [tilespmem:v4+s16+$0x0], $0xffff  }
0x5f: {  	v7 =	vor.u32 s10, v3;
	_ =	sdelay $0x3  }
0x60: {  	[tilespmem:v6+s28+$0x0] =	vst.idx.msk $0xffff, v4  }
0x61: {  	s2 =	sand.u32 $0x7F, s2;
	v5 =	vor.u32 v2, v5;
	v4 =	vld.idx.msk [tilespmem:v7+s16+$0x0], $0xffff  }
0x62: {  	s17 =	sadd.s32 $0xFFFFFFFA, s1;
	v30 =	vor.u32 s2, v0  }
0x63: {  	v31 =	vmov s17  }
0x64: {  	v8 =	vshll.u32 v31, $0x3  }
0x65: {  	v8 =	vand.u32 $0xC00, v8;
	v7 =	vand.u32 $0x79, v31  }
0x66: {  	s11 =	simm.s32 $0x9200;
	[tilespmem:v5+s28+$0x0] =	vst.idx.msk $0xffff, v4;
	v4 =	vor.u32 v7, v8  }
0x67: {  	v5 =	vld.idx.msk [tilespmem:v30+s11+$0x0], $0xffff;
	v32 =	vor.u32 v1, v4  }
0x68: {  	v33 =	vor.u32 s2, v3;
	_ =	sdelay $0x3  }
0x69: {  	[tilespmem:v32+s28+$0x0] =	vst.idx.msk $0xffff, v5  }
0x6a: {  	s12 =	sand.u32 $0x7F, s8;
	v4 =	vor.u32 v2, v4;
	v5 =	vld.idx.msk [tilespmem:v33+s11+$0x0], $0xffff  }
0x6b: {  	s13 =	sadd.s32 $0xFFFFFFFB, s1;
	v34 =	vor.u32 s12, v0  }
0x6c: {  	v35 =	vmov s13  }
0x6d: {  	v36 =	vshll.u32 v35, $0x3  }
0x6e: {  	v7 =	vand.u32 $0x7A, v35;
	v8 =	vand.u32 $0xC00, v36  }
0x6f: {  	s14 =	simm.s32 $0xA200;
	[tilespmem:v4+s28+$0x0] =	vst.idx.msk $0xffff, v5;
	v4 =	vor.u32 v7, v8  }
0x70: {  	v5 =	vld.idx.msk [tilespmem:v34+s14+$0x0], $0xffff;
	v37 =	vor.u32 v1, v4  }
0x71: {  	v38 =	vor.u32 s12, v3;
	_ =	sdelay $0x3  }
0x72: {  	[tilespmem:v37+s28+$0x0] =	vst.idx.msk $0xffff, v5  }
0x73: {  	s15 =	sand.u32 $0x7F, s6;
	v4 =	vor.u32 v2, v4;
	v5 =	vld.idx.msk [tilespmem:v38+s14+$0x0], $0xffff  }
0x74: {  	v39 =	vor.u32 s15, v0;
	s16 =	sadd.s32 $0xFFFFFFFC, s1  }
0x75: {  	v40 =	vmov s16  }
0x76: {  	v41 =	vshll.u32 v40, $0x3  }
0x77: {  	v7 =	vand.u32 $0x7B, v40;
	v8 =	vand.u32 $0xC00, v41  }
0x78: {  	s17 =	simm.s32 $0xB200;
	[tilespmem:v4+s28+$0x0] =	vst.idx.msk $0xffff, v5;
	v4 =	vor.u32 v7, v8  }
0x79: {  	v5 =	vld.idx.msk [tilespmem:v39+s17+$0x0], $0xffff;
	v42 =	vor.u32 v1, v4  }
0x7a: {  	v43 =	vor.u32 s15, v3;
	_ =	sdelay $0x3  }
0x7b: {  	[tilespmem:v42+s28+$0x0] =	vst.idx.msk $0xffff, v5  }
0x7c: {  	s8 =	sand.u32 $0x7F, s5;
	v4 =	vor.u32 v2, v4;
	v5 =	vld.idx.msk [tilespmem:v43+s17+$0x0], $0xffff  }
0x7d: {  	s10 =	sadd.s32 $0xFFFFFFFD, s1;
	v44 =	vor.u32 s8, v0  }
0x7e: {  	v45 =	vmov s10  }
0x7f: {  	v46 =	vshll.u32 v45, $0x3  }
0x80: {  	v7 =	vand.u32 $0x7C, v45;
	v8 =	vand.u32 $0xC00, v46  }
0x81: {  	s11 =	simm.s32 $0xC200;
	[tilespmem:v4+s28+$0x0] =	vst.idx.msk $0xffff, v5;
	v4 =	vor.u32 v7, v8  }
0x82: {  	v5 =	vld.idx.msk [tilespmem:v44+s11+$0x0], $0xffff;
	v47 =	vor.u32 v1, v4  }
0x83: {  	v48 =	vor.u32 s8, v3;
	_ =	sdelay $0x3  }
0x84: {  	[tilespmem:v47+s28+$0x0] =	vst.idx.msk $0xffff, v5  }
0x85: {  	s12 =	sand.u32 $0x7F, s4;
	v4 =	vor.u32 v2, v4;
	v5 =	vld.idx.msk [tilespmem:v48+s11+$0x0], $0xffff  }
0x86: {  	s13 =	sadd.s32 $0xFFFFFFFE, s1;
	v49 =	vor.u32 s12, v0  }
0x87: {  	v50 =	vmov s13  }
0x88: {  	v51 =	vshll.u32 v50, $0x3  }
0x89: {  	v7 =	vand.u32 $0x7D, v50;
	v8 =	vand.u32 $0xC00, v51  }
0x8a: {  	s14 =	simm.s32 $0xD200;
	[tilespmem:v4+s28+$0x0] =	vst.idx.msk $0xffff, v5;
	v4 =	vor.u32 v7, v8  }
0x8b: {  	v5 =	vld.idx.msk [tilespmem:v49+s14+$0x0], $0xffff;
	v52 =	vor.u32 v1, v4  }
0x8c: {  	v53 =	vor.u32 s12, v3;
	_ =	sdelay $0x3  }
0x8d: {  	[tilespmem:v52+s28+$0x0] =	vst.idx.msk $0xffff, v5  }
0x8e: {  	s15 =	sand.u32 $0x7F, s31;
	v4 =	vor.u32 v2, v4;
	v5 =	vld.idx.msk [tilespmem:v53+s14+$0x0], $0xffff  }
0x8f: {  	v54 =	vor.u32 s15, v0;
	s16 =	sadd.s32 $0xFFFFFFFF, s1  }
0x90: {  	v55 =	vmov s16  }
0x91: {  	v56 =	vshll.u32 v55, $0x3  }
0x92: {  	v7 =	vand.u32 $0x7E, v55;
	v8 =	vand.u32 $0xC00, v56  }
0x93: {  	s17 =	simm.s32 $0xE200;
	[tilespmem:v4+s28+$0x0] =	vst.idx.msk $0xffff, v5;
	v4 =	vor.u32 v7, v8  }
0x94: {  	v5 =	vld.idx.msk [tilespmem:v54+s17+$0x0], $0xffff;
	v57 =	vor.u32 v1, v4  }
0x95: {  	v58 =	vor.u32 s15, v3;
	_ =	sdelay $0x3  }
0x96: {  	[tilespmem:v57+s28+$0x0] =	vst.idx.msk $0xffff, v5  }
0x97: {  	s31 =	sand.u32 $0x7F, s30;
	v4 =	vor.u32 v2, v4;
	v5 =	vld.idx.msk [tilespmem:v58+s17+$0x0], $0xffff  }
0x98: {  	v59 =	vor.u32 s31, v0  }
0x99: {  	v60 =	vmov s1  }
0x9a: {  	v61 =	vshll.u32 v60, $0x3  }
0x9b: {  	v7 =	vand.u32 $0x7F, v60;
	v8 =	vand.u32 $0xC00, v61  }
0x9c: {  	[tilespmem:v4+s28+$0x0] =	vst.idx.msk $0xffff, v5;
	v4 =	vor.u32 v7, v8  }
0x9d: {  	v5 =	vld.idx.msk [tilespmem:v59+s26+$0x0], $0xffff;
	v62 =	vor.u32 v1, v4  }
0x9e: {  	v63 =	vor.u32 s31, v3;
	_ =	sdelay $0x3  }
0x9f: {  	s1 =	sadd.s32 $0x10, s1;
	[tilespmem:v62+s28+$0x0] =	vst.idx.msk $0xffff, v5  }
0xa0: {  	p0 =	sne.s32 s1, $0x20F;
	v4 =	vor.u32 v2, v4;
	v5 =	vld.idx.msk [tilespmem:v63+s26+$0x0], $0xffff  }
.Ltmp3:
0xa1: {  	_ = 	snop;
	(pc) =	sbr.rel @!p0 .LBB2_5-.Ltmp3, $2  }
0xa2: {  	_ =	sdelay $0x2  }
0xa3: {  	s3 =	sadd.s32 $0x10, s3;
	[tilespmem:v4+s28+$0x0] =	vst.idx.msk $0xffff, v5  }
.LBB2_2:
0xa4: {  	v4 =	vld [tilespmem:s3+$0xFFFFFFF0];
	_ =	sdelay $0x4  }
0xa5: {  	v5 =	vnsel vm6, $0x0, v4  }
0xa6: {  	(xrf0) =	vadd.scan.msk.s32 $0xffff, v5;
	v5 =	vsel vm7, $0x0, v4  }
0xa7: {  	(xrf0) =	vadd.scan.msk.s32 $0xffff, v5;
	v5 =	vsel vm0, $0x0, v4  }
0xa8: {  	(xrf0) =	vadd.scan.msk.s32 $0xffff, v5;
	v5 =	vsel vm1, $0x0, v4  }
0xa9: {  	(xrf0) =	vadd.scan.msk.s32 $0xffff, v5;
	v5 =	vsel vm2, $0x0, v4  }
0xaa: {  	(xrf0) =	vadd.scan.msk.s32 $0xffff, v5;
	v5 =	vsel vm3, $0x0, v4  }
0xab: {  	(xrf0) =	vadd.scan.msk.s32 $0xffff, v5;
	v5 =	vsel vm4, $0x0, v4  }
0xac: {  	v6, _, _ =	vpop (xrf0);
	(xrf0) =	vadd.scan.msk.s32 $0xffff, v5;
	v5 =	vsel vm5, $0x0, v4  }
0xad: {  	v21, _, _ =	vpop (xrf0);
	(xrf0) =	vadd.scan.msk.s32 $0xffff, v5;
	v5 =	vsel vm8, $0x0, v4  }
0xae: {  	(v2sf) =	vpush v6, $0xF;
	v22, _, _ =	vpop (xrf0);
	(xrf0) =	vadd.scan.msk.s32 $0xffff, v5;
	v5 =	vsel vm9, $0x0, v4  }
0xaf: {  	(v2sf) =	vpush v21, $0xF;
	v23, _, _ =	vpop (xrf0);
	(xrf0) =	vadd.scan.msk.s32 $0xffff, v5;
	v5 =	vsel vm10, $0x0, v4  }
0xb0: {  	(v2sf) =	vpush v22, $0xF;
	v24, _, _ =	vpop (xrf0);
	(xrf0) =	vadd.scan.msk.s32 $0xffff, v5;
	v5 =	vsel vm11, $0x0, v4  }
0xb1: {  	(v2sf) =	vpush v23, $0xF;
	v25, _, _ =	vpop (xrf0);
	(xrf0) =	vadd.scan.msk.s32 $0xffff, v5;
	v5 =	vsel vm12, $0x0, v4  }
0xb2: {  	(v2sf) =	vpush v24, $0xF;
	v26, _, _ =	vpop (xrf0);
	(xrf0) =	vadd.scan.msk.s32 $0xffff, v5;
	v5 =	vsel vm13, $0x0, v4  }
0xb3: {  	(v2sf) =	vpush v25, $0xF;
	v27, _, _ =	vpop (xrf0);
	(xrf0) =	vadd.scan.msk.s32 $0xffff, v5;
	v5 =	vsel vm14, $0x0, v4  }
0xb4: {  	(v2sf) =	vpush v26, $0xF;
	v4 =	vsel vm15, $0x0, v4  }
0xb5: {  	(v2sf) =	vpush v27, $0xF;
	v28, _, _ =	vpop (xrf0)  }
0xb6: {  	(xrf0) =	vadd.scan.msk.s32 $0xffff, v5;
	(v2sf) =	vpush v28, $0xF;
	v5, _, _ =	vpop (xrf0)  }
0xb7: {  	(xrf0) =	vadd.scan.msk.s32 $0xffff, v4;
	v4, _, _ =	vpop (xrf0);
	(v2sf) =	vpush v5, $0xF  }
0xb8: {  	(v2sf) =	vpush v4, $0xF  }
0xb9: {  	v5, _, _ =	vpop (xrf0)  }
0xba: {  	v4, _, _ =	vpop (xrf0);
	(v2sf) =	vpush v5, $0xF  }
0xbb: {  	v5, _, _ =	vpop (xrf0);
	(v2sf) =	vpush v4, $0xF  }
0xbc: {  	v4, _, _ =	vpop (xrf0);
	(v2sf) =	vpush v5, $0xF  }
0xbd: {  	(v2sf) =	vpush v4, $0xF;
	v4, _, _ =	vpop (xrf0);
	s17 =	spop (v2sf)  }
0xbe: {  	(v2sf) =	vpush v4, $0xF;
	s18 =	spop (v2sf)  }
0xbf: {  	s16 =	spop (v2sf)  }
0xc0: {  	s15 =	spop (v2sf)  }
0xc1: {  	s14 =	spop (v2sf)  }
0xc2: {  	s13 =	spop (v2sf)  }
0xc3: {  	s12 =	spop (v2sf)  }
0xc4: {  	s11 =	spop (v2sf)  }
0xc5: {  	s10 =	spop (v2sf)  }
0xc6: {  	s19 =	sand.u32 $0xFFFFF80, s10;
	s8 =	spop (v2sf)  }
0xc7: {  	s20 =	simm.s32 $0x8200;
	s19 =	sadd.s32 s0, s19;
	s6 =	spop (v2sf)  }
0xc8: {  	[tilespmem:s20], [sflag:$0x2] =	stream.strided.gather [hbm4b:s19+s7], $0x1000, s9, s7, $0x38;
	[tilespmem:$0x14200] =	vst v63  }
0xc9: {  	s5 =	spop (v2sf)  }
0xca: {  	s4 =	spop (v2sf)  }
0xcb: {  	s31 =	spop (v2sf)  }
0xcc: {  	s30 =	spop (v2sf)  }
0xcd: {  	s2 =	spop (v2sf)  }
0xce: {  	s20 =	sand.u32 $0xFFFFF80, s2  }
0xcf: {  	s21 =	simm.s32 $0x9200;
	s19 =	sadd.s32 s0, s20  }
0xd0: {  	[tilespmem:s21], [sflag:$0x2] =	stream.strided.gather [hbm4b:s19+s7], $0x1000, s9, s7, $0x38;
	[tilespmem:$0x14200] =	vst v63  }
0xd1: {  	s21 =	sand.u32 $0xFFFFF80, s8  }
0xd2: {  	s22 =	simm.s32 $0xA200;
	s19 =	sadd.s32 s0, s21  }
0xd3: {  	[tilespmem:s22], [sflag:$0x2] =	stream.strided.gather [hbm4b:s19+s7], $0x1000, s9, s7, $0x38;
	[tilespmem:$0x14200] =	vst v63  }
0xd4: {  	s22 =	sand.u32 $0xFFFFF80, s6  }
0xd5: {  	s23 =	simm.s32 $0xB200;
	s19 =	sadd.s32 s0, s22  }
0xd6: {  	[tilespmem:s23], [sflag:$0x2] =	stream.strided.gather [hbm4b:s19+s7], $0x1000, s9, s7, $0x38;
	[tilespmem:$0x14200] =	vst v63  }
0xd7: {  	s24 =	simm.s32 $0xC200;
	s25 =	simm.s32 $0xD200;
	s23 =	sand.u32 $0xFFFFF80, s5  }
0xd8: {  	s26 =	simm.s32 $0xE200;
	s20 =	sand.u32 $0xFFFFF80, s4;
	s19 =	sadd.s32 s0, s23  }
0xd9: {  	[tilespmem:s24], [sflag:$0x2] =	stream.strided.gather [hbm4b:s19+s7], $0x1000, s9, s7, $0x38;
	[tilespmem:$0x14200] =	vst v63  }
0xda: {  	s17 =	sand.u32 $0x7F, s17;
	s21 =	sand.u32 $0xFFFFF80, s31;
	s19 =	sadd.s32 s0, s20  }
0xdb: {  	[tilespmem:s25], [sflag:$0x2] =	stream.strided.gather [hbm4b:s19+s7], $0x1000, s9, s7, $0x38;
	[tilespmem:$0x14200] =	vst v63  }
0xdc: {  	s22 =	sand.u32 $0xFFFFF80, s30;
	s23 =	sadd.s32 $0xFFFFFFF1, s1;
	s19 =	sadd.s32 s0, s21  }
0xdd: {  	[tilespmem:s26], [sflag:$0x2] =	stream.strided.gather [hbm4b:s19+s7], $0x1000, s9, s7, $0x38;
	[tilespmem:$0x14200] =	vst v63  }
0xde: {  	v4 =	vor.u32 s17, v0;
	s24 =	simm.s32 $0x1;
	s26 =	simm.s32 $0xF200;
	s19 =	sadd.s32 s0, s22  }
0xdf: {  	v5 =	vmov s23;
	[tilespmem:s26], [sflag:$0x2] =	stream.strided.gather [hbm4b:s19+s7], $0x1000, s9, s7, $0x38;
	[tilespmem:$0x14200] =	vst v63  }
0xe0: {  	v29 =	vshll.u32 v5, $0x3;
	_ =	swait.ge [sflag:s24], $0x8000  }
0xe1: {  	v5 =	vand.u32 $0x70, v5;
	v6 =	vand.u32 $0xC00, v29;
	[sflag:s24] =	ssyncset.done $0x0  }
0xe2: {  	s25 =	simm.s32 $0x200;
	v5 =	vor.u32 v5, v6;
	[sflag:s24] =	ssyncadd.s32 $0xFFFF8000  }
0xe3: {  	v6 =	vor.u32 v1, v5;
	v4 =	vld.idx.msk [tilespmem:v4+s25+$0x0], $0xffff  }
0xe4: {  	v7 =	vor.u32 s17, v3;
	_ =	sdelay $0x3  }
0xe5: {  	[tilespmem:v6+s28+$0x0] =	vst.idx.msk $0xffff, v4  }
0xe6: {  	s20 =	sand.u32 $0x7F, s18;
	v5 =	vor.u32 v2, v5;
	v4 =	vld.idx.msk [tilespmem:v7+s25+$0x0], $0xffff  }
0xe7: {  	v30 =	vor.u32 s20, v0;
	s21 =	sadd.s32 $0xFFFFFFF2, s1  }
0xe8: {  	v31 =	vmov s21  }
0xe9: {  	v8 =	vshll.u32 v31, $0x3  }
0xea: {  	v8 =	vand.u32 $0xC00, v8;
	v7 =	vand.u32 $0x71, v31  }
0xeb: {  	s22 =	simm.s32 $0x1200;
	[tilespmem:v5+s28+$0x0] =	vst.idx.msk $0xffff, v4;
	v4 =	vor.u32 v7, v8  }
0xec: {  	v5 =	vld.idx.msk [tilespmem:v30+s22+$0x0], $0xffff;
	v32 =	vor.u32 v1, v4  }
0xed: {  	v33 =	vor.u32 s20, v3;
	_ =	sdelay $0x3  }
0xee: {  	[tilespmem:v32+s28+$0x0] =	vst.idx.msk $0xffff, v5  }
0xef: {  	s16 =	sand.u32 $0x7F, s16;
	v4 =	vor.u32 v2, v4;
	v5 =	vld.idx.msk [tilespmem:v33+s22+$0x0], $0xffff  }
0xf0: {  	v34 =	vor.u32 s16, v0;
	s23 =	sadd.s32 $0xFFFFFFF3, s1  }
0xf1: {  	v35 =	vmov s23  }
0xf2: {  	v36 =	vshll.u32 v35, $0x3  }
0xf3: {  	v7 =	vand.u32 $0x72, v35;
	v8 =	vand.u32 $0xC00, v36  }
0xf4: {  	s24 =	simm.s32 $0x2200;
	[tilespmem:v4+s28+$0x0] =	vst.idx.msk $0xffff, v5;
	v4 =	vor.u32 v7, v8  }
0xf5: {  	v5 =	vld.idx.msk [tilespmem:v34+s24+$0x0], $0xffff;
	v37 =	vor.u32 v1, v4  }
0xf6: {  	v38 =	vor.u32 s16, v3;
	_ =	sdelay $0x3  }
0xf7: {  	[tilespmem:v37+s28+$0x0] =	vst.idx.msk $0xffff, v5  }
0xf8: {  	s15 =	sand.u32 $0x7F, s15;
	v4 =	vor.u32 v2, v4;
	v5 =	vld.idx.msk [tilespmem:v38+s24+$0x0], $0xffff  }
0xf9: {  	v39 =	vor.u32 s15, v0;
	s25 =	sadd.s32 $0xFFFFFFF4, s1  }
0xfa: {  	v40 =	vmov s25  }
0xfb: {  	v41 =	vshll.u32 v40, $0x3  }
0xfc: {  	v7 =	vand.u32 $0x73, v40;
	v8 =	vand.u32 $0xC00, v41  }
0xfd: {  	s17 =	simm.s32 $0x3200;
	[tilespmem:v4+s28+$0x0] =	vst.idx.msk $0xffff, v5;
	v4 =	vor.u32 v7, v8  }
0xfe: {  	v5 =	vld.idx.msk [tilespmem:v39+s17+$0x0], $0xffff;
	v42 =	vor.u32 v1, v4  }
0xff: {  	v43 =	vor.u32 s15, v3;
	_ =	sdelay $0x3  }
0x100: {  	[tilespmem:v42+s28+$0x0] =	vst.idx.msk $0xffff, v5  }
0x101: {  	s14 =	sand.u32 $0x7F, s14;
	v4 =	vor.u32 v2, v4;
	v5 =	vld.idx.msk [tilespmem:v43+s17+$0x0], $0xffff  }
0x102: {  	v44 =	vor.u32 s14, v0;
	s22 =	sadd.s32 $0xFFFFFFF5, s1  }
0x103: {  	v45 =	vmov s22  }
0x104: {  	v46 =	vshll.u32 v45, $0x3  }
0x105: {  	v7 =	vand.u32 $0x74, v45;
	v8 =	vand.u32 $0xC00, v46  }
0x106: {  	s23 =	simm.s32 $0x4200;
	[tilespmem:v4+s28+$0x0] =	vst.idx.msk $0xffff, v5;
	v4 =	vor.u32 v7, v8  }
0x107: {  	v5 =	vld.idx.msk [tilespmem:v44+s23+$0x0], $0xffff;
	v47 =	vor.u32 v1, v4  }
0x108: {  	v48 =	vor.u32 s14, v3;
	_ =	sdelay $0x3  }
0x109: {  	[tilespmem:v47+s28+$0x0] =	vst.idx.msk $0xffff, v5  }
0x10a: {  	s13 =	sand.u32 $0x7F, s13;
	v4 =	vor.u32 v2, v4;
	v5 =	vld.idx.msk [tilespmem:v48+s23+$0x0], $0xffff  }
0x10b: {  	v49 =	vor.u32 s13, v0;
	s24 =	sadd.s32 $0xFFFFFFF6, s1  }
0x10c: {  	v50 =	vmov s24  }
0x10d: {  	v51 =	vshll.u32 v50, $0x3  }
0x10e: {  	v7 =	vand.u32 $0x75, v50;
	v8 =	vand.u32 $0xC00, v51  }
0x10f: {  	s25 =	simm.s32 $0x5200;
	[tilespmem:v4+s28+$0x0] =	vst.idx.msk $0xffff, v5;
	v4 =	vor.u32 v7, v8  }
0x110: {  	v5 =	vld.idx.msk [tilespmem:v49+s25+$0x0], $0xffff;
	v52 =	vor.u32 v1, v4  }
0x111: {  	v53 =	vor.u32 s13, v3;
	_ =	sdelay $0x3  }
0x112: {  	[tilespmem:v52+s28+$0x0] =	vst.idx.msk $0xffff, v5  }
0x113: {  	s12 =	sand.u32 $0x7F, s12;
	v4 =	vor.u32 v2, v4;
	v5 =	vld.idx.msk [tilespmem:v53+s25+$0x0], $0xffff  }
0x114: {  	s14 =	sadd.s32 $0xFFFFFFF7, s1;
	v54 =	vor.u32 s12, v0  }
0x115: {  	v55 =	vmov s14  }
0x116: {  	v56 =	vshll.u32 v55, $0x3  }
0x117: {  	v7 =	vand.u32 $0x76, v55;
	v8 =	vand.u32 $0xC00, v56  }
0x118: {  	s15 =	simm.s32 $0x6200;
	[tilespmem:v4+s28+$0x0] =	vst.idx.msk $0xffff, v5;
	v4 =	vor.u32 v7, v8  }
0x119: {  	v5 =	vld.idx.msk [tilespmem:v54+s15+$0x0], $0xffff;
	v57 =	vor.u32 v1, v4  }
0x11a: {  	v58 =	vor.u32 s12, v3;
	_ =	sdelay $0x3  }
0x11b: {  	[tilespmem:v57+s28+$0x0] =	vst.idx.msk $0xffff, v5  }
0x11c: {  	s11 =	sand.u32 $0x7F, s11;
	v4 =	vor.u32 v2, v4;
	v5 =	vld.idx.msk [tilespmem:v58+s15+$0x0], $0xffff  }
0x11d: {  	s16 =	sadd.s32 $0xFFFFFFF8, s1;
	v59 =	vor.u32 s11, v0  }
0x11e: {  	v60 =	vmov s16  }
0x11f: {  	v61 =	vshll.u32 v60, $0x3  }
0x120: {  	v7 =	vand.u32 $0x77, v60;
	v8 =	vand.u32 $0xC00, v61  }
0x121: {  	s17 =	simm.s32 $0x7200;
	[tilespmem:v4+s28+$0x0] =	vst.idx.msk $0xffff, v5;
	v4 =	vor.u32 v7, v8  }
0x122: {  	v5 =	vld.idx.msk [tilespmem:v59+s17+$0x0], $0xffff;
	v62 =	vor.u32 v1, v4  }
0x123: {  	v63 =	vor.u32 s11, v3;
	_ =	sdelay $0x3  }
0x124: {  	[tilespmem:v62+s28+$0x0] =	vst.idx.msk $0xffff, v5  }
0x125: {  	p0 =	seq.s32 s1, $0x1FF;
	v4 =	vor.u32 v2, v4;
	v5 =	vld.idx.msk [tilespmem:v63+s17+$0x0], $0xffff  }
.Ltmp4:
0x126: {  	_ = 	snop;
	(pc) =	sbr.rel @p0 .LBB2_4-.Ltmp4, $4  }
0x127: {  	_ = 	snop  }
0x128: {  	s18 =	simm.s32 $0x1200;
	s20 =	simm.s32 $0x2200  }
0x129: {  	s21 =	simm.s32 $0x3200;
	s19 =	simm.s32 $0x200;
	s22 =	simm.s32 $0x4200  }
0x12a: {  	s24 =	simm.s32 $0x6200;
	s23 =	simm.s32 $0x5200;
	s25 =	simm.s32 $0x7200;
	[tilespmem:v4+s28+$0x0] =	vst.idx.msk $0xffff, v5  }
0x12b: {  	v4 =	vld [tilespmem:s3+$0x0];
	_ =	sdelay $0x4  }
0x12c: {  	v5 =	vsel vm0, $0x0, v4  }
0x12d: {  	(xrf0) =	vadd.scan.msk.s32 $0xffff, v5;
	v5 =	vsel vm1, $0x0, v4  }
0x12e: {  	(xrf0) =	vadd.scan.msk.s32 $0xffff, v5;
	v5 =	vsel vm2, $0x0, v4  }
0x12f: {  	(xrf0) =	vadd.scan.msk.s32 $0xffff, v5;
	v5 =	vsel vm3, $0x0, v4  }
0x130: {  	(xrf0) =	vadd.scan.msk.s32 $0xffff, v5;
	v5 =	vsel vm4, $0x0, v4  }
0x131: {  	(xrf0) =	vadd.scan.msk.s32 $0xffff, v5;
	v5 =	vsel vm5, $0x0, v4  }
0x132: {  	(xrf0) =	vadd.scan.msk.s32 $0xffff, v5;
	v5 =	vnsel vm6, $0x0, v4;
	_ =	sdelay $0x1  }
0x133: {  	v6, _, _ =	vpop (xrf0);
	(xrf0) =	vadd.scan.msk.s32 $0xffff, v5  }
0x134: {  	(v2sf) =	vpush v6, $0xF;
	v5, _, _ =	vpop (xrf0)  }
0x135: {  	v4 =	vsel vm7, $0x0, v4;
	v63, _, _ =	vpop (xrf0);
	(v2sf) =	vpush v5, $0xF  }
0x136: {  	v5, _, _ =	vpop (xrf0);
	(v2sf) =	vpush v63, $0xF  }
0x137: {  	(xrf0) =	vadd.scan.msk.s32 $0xffff, v4;
	(v2sf) =	vpush v5, $0xF;
	v5, _, _ =	vpop (xrf0)  }
0x138: {  	v4, _, _ =	vpop (xrf0);
	(v2sf) =	vpush v5, $0xF  }
0x139: {  	v5, _, _ =	vpop (xrf0);
	(v2sf) =	vpush v4, $0xF  }
0x13a: {  	(v2sf) =	vpush v5, $0xF;
	_ =	sdelay $0x2  }
0x13b: {  	v4, _, _ =	vpop (xrf0)  }
0x13c: {  	(v2sf) =	vpush v4, $0xF;
	_ =	sdelay $0x4  }
0x13d: {  	s11 =	spop (v2sf)  }
0x13e: {  	s12 =	spop (v2sf)  }
0x13f: {  	s13 =	spop (v2sf)  }
0x140: {  	s14 =	spop (v2sf)  }
0x141: {  	s15 =	spop (v2sf)  }
0x142: {  	s16 =	spop (v2sf)  }
0x143: {  	s17 =	spop (v2sf)  }
0x144: {  	s17 =	sand.u32 $0xFFFFF80, s17  }
0x145: {  	s17 =	sadd.s32 s0, s17  }
0x146: {  	[tilespmem:s19], [sflag:$0x1] =	stream.strided.gather [hbm4b:s17+s7], $0x1000, s9, s7, $0x38;
	[tilespmem:$0x14200] =	vst v63  }
0x147: {  	s17 =	spop (v2sf)  }
0x148: {  	s17 =	sand.u32 $0xFFFFF80, s17  }
0x149: {  	s11 =	sand.u32 $0xFFFFF80, s11;
	s17 =	sadd.s32 s0, s17  }
0x14a: {  	[tilespmem:s18], [sflag:$0x1] =	stream.strided.gather [hbm4b:s17+s7], $0x1000, s9, s7, $0x38;
	[tilespmem:$0x14200] =	vst v63  }
0x14b: {  	s11 =	sadd.s32 s0, s11;
	s12 =	sand.u32 $0xFFFFF80, s12  }
0x14c: {  	[tilespmem:s20], [sflag:$0x1] =	stream.strided.gather [hbm4b:s11+s7], $0x1000, s9, s7, $0x38;
	[tilespmem:$0x14200] =	vst v63  }
0x14d: {  	s13 =	sand.u32 $0xFFFFF80, s13;
	s11 =	sadd.s32 s0, s12  }
0x14e: {  	[tilespmem:s21], [sflag:$0x1] =	stream.strided.gather [hbm4b:s11+s7], $0x1000, s9, s7, $0x38;
	[tilespmem:$0x14200] =	vst v63  }
0x14f: {  	s14 =	sand.u32 $0xFFFFF80, s14;
	s11 =	sadd.s32 s0, s13  }
0x150: {  	[tilespmem:s22], [sflag:$0x1] =	stream.strided.gather [hbm4b:s11+s7], $0x1000, s9, s7, $0x38;
	[tilespmem:$0x14200] =	vst v63  }
0x151: {  	s11 =	sadd.s32 s0, s14  }
0x152: {  	[tilespmem:s23], [sflag:$0x1] =	stream.strided.gather [hbm4b:s11+s7], $0x1000, s9, s7, $0x38;
	[tilespmem:$0x14200] =	vst v63  }
.Ltmp5:
0x153: {  	s15 =	sand.u32 $0xFFFFF80, s15;
	(pc) =	sbr.rel .LBB2_4-.Ltmp5, $4  }
0x154: {  	s17 =	sand.u32 $0xFFFFF80, s16;
	s11 =	sadd.s32 s0, s15  }
0x155: {  	[tilespmem:s24], [sflag:$0x1] =	stream.strided.gather [hbm4b:s11+s7], $0x1000, s9, s7, $0x38;
	[tilespmem:$0x14200] =	vst v63  }
0x156: {  	s11 =	sadd.s32 s0, s17  }
0x157: {  	[tilespmem:s25], [sflag:$0x1] =	stream.strided.gather [hbm4b:s11+s7], $0x1000, s9, s7, $0x38;
	[tilespmem:$0x14200] =	vst v63  }
.LBB2_6:
0x158: {  	_ =	sfence.sel $0x180000  }
0x159: {  	[bflag:$0x0] =	sbarrier.arrive $0xFFFF  }
0x15a: {  	_ =	strace $0x90000047  }
0x15b: {  	s0 =	stileid.u32;
	[bflag:$0x2] =	sbarrier.arrive $0xFFFF  }
0x15c: {  	p0 =	sne.s32 s0, $0x0;
	s0 =	rddreg [dreg:$0x3]  }
0x15d: {  	s0 =	sadd.s32 @!p0 $0x100000, s0  }
0x15e: {  	[sflag:s0] =	ssyncadd.tile.s32 @!p0 $0x1;
	_ =	shalt  }
.Lfunc_end2:
_tile_overlayer_lowered:
.L_overlay_start_2:
0x15f: {  	(tag) =	ssettag $0x2  }
0x160: {  	s0 =	rddreg [dreg:$0x0];
	s2 =	stileid.u32  }
0x161: {  	s1 =	rddreg [dreg:$0x1];
	p0 =	sne.s32 s2, $0x0  }
0x162: {  	s3 =	rddreg [dreg:$0x2];
	[bflag:$0x3] =	sbarrier.arrive $0xFFFF;
	s2 =	simm.s32 @!p0 $0x1C03  }
0x163: {  	[timem:s3], [sflag:s2] =	dma.local @!p0 [hbm:s0], s1  }
0x164: {  	s0 =	simm.s32 @!p0 $0x3  }
0x165: {  	_ =	swait.ge @!p0 [sflag:s0], s1  }
0x166: {  	s1 =	ssub.s32 @!p0 $0x0, s1;
	[sflag:s0] =	ssyncset.done @!p0 $0x0  }
0x167: {  	[sflag:s0] =	ssyncadd.s32 @!p0 s1  }
0x168: {  	[bflag:$0x3] =	sbarrier.arrive $0xFFFF  }
0x169: {  	_ =	shalt  }

</sc_bundles>
